<compile_context>
chip_gen: v7x
topology: tpu7x:2x2x1
jax: 0.10.2.dev20260603
libtpu: 0.0.44.dev20260713+nightly
codegen_flags: <defaults>
</compile_context>

<pallas_src>
import functools

import jax
import jax.numpy as jnp
from jax import lax
from jax.experimental import pallas as pl
from jax.experimental.pallas import tpu as pltpu
from jax.experimental.pallas import tpu_sc as plsc

_NUM_CORES = 2
_NUM_SUBCORES = 16
_NW = _NUM_CORES * _NUM_SUBCORES
_L = 16


def _sc_body(B, D, P, K, C, x_hbm, thT_hbm, lk_hbm, i_hbm, j_hbm, out_hbm,
             x_chunk, i_buf, j_buf, kthT, out_buf, lk_buf):
    GB = 8
    rows_per_w = B // _NW
    n_chunks = rows_per_w // C
    n_gblks = P // (_L * GB)

    wid = lax.axis_index("s") * _NUM_CORES + lax.axis_index("c")

    pltpu.sync_copy(i_hbm, i_buf)
    pltpu.sync_copy(j_hbm, j_buf)
    pltpu.sync_copy(thT_hbm, kthT)
    pltpu.sync_copy(lk_hbm, lk_buf)

    kappa = jnp.clip(jnp.exp(lk_buf[...]), 0.5, 50.0)

    iota = lax.iota(jnp.int32, _L)
    col_idx = [iota * K + k for k in range(K)]

    def chunk_body(c, _):
        row_base = wid * rows_per_w + c * C
        pltpu.sync_copy(x_hbm.at[pl.ds(row_base, C), :], x_chunk)

        def gblk_body(gb, _):
            for sg in range(GB):
                g = gb * GB + sg
                gi = i_buf[pl.ds(g * _L, _L)]
                gj = j_buf[pl.ds(g * _L, _L)]
                kth = [kappa * kthT[k, pl.ds(g * _L, _L)] for k in range(K)]
                cols = [col_idx[k] + sg * _L * K for k in range(K)]

                def row_body(r, _, gi=gi, gj=gj, kth=kth, cols=cols):
                    rsp = jnp.full((_L,), r, jnp.int32)
                    xi = plsc.load_gather(x_chunk, [rsp, gi])
                    xj = plsc.load_gather(x_chunk, [rsp, gj])
                    kd = kappa * (xi - xj)
                    for k in range(K):
                        z = kd - kth[k]
                        s = 1.0 / (1.0 + jnp.exp(-z))
                        plsc.store_scatter(out_buf, [rsp, cols[k]], s)
                    return _
                lax.fori_loop(0, C, row_body, None)
            pltpu.sync_copy(
                out_buf,
                out_hbm.at[pl.ds(row_base, C), pl.ds(gb * GB * _L * K, GB * _L * K)])
            return _
        lax.fori_loop(0, n_gblks, gblk_body, None)
        return _
    lax.fori_loop(0, n_chunks, chunk_body, None)


def kernel(x, th, log_kappa, i_idx, j_idx):
    B, D = x.shape
    P, K = th.shape
    C = 64

    thT = th.T.reshape(K, P)
    i32 = i_idx.astype(jnp.int32)
    j32 = j_idx.astype(jnp.int32)
    lk = jnp.full((_L,), log_kappa, jnp.float32)

    mesh = plsc.VectorSubcoreMesh(
        core_axis_name="c", subcore_axis_name="s",
        num_cores=_NUM_CORES, num_subcores=_NUM_SUBCORES)
    f = pl.kernel(
        functools.partial(_sc_body, B, D, P, K, C),
        out_type=jax.ShapeDtypeStruct((B, P * K), jnp.float32),
        mesh=mesh,
        compiler_params=pltpu.CompilerParams(needs_layout_passes=False),
        scratch_types=[
            pltpu.VMEM((C, D), jnp.float32),
            pltpu.VMEM((P,), jnp.int32),
            pltpu.VMEM((P,), jnp.int32),
            pltpu.VMEM((K, P), jnp.float32),
            pltpu.VMEM((C, 8 * _L * K), jnp.float32),
            pltpu.VMEM((_L,), jnp.float32),
        ],
    )
    return f(x, thT, lk, i32, j32)

# --- scband reference (transcript-rebuilt; emitter-appended) ---
"""Pipeline reference for scband-relational-diff-fact-bank-87531433492862 (READ-ONLY COPY).

The authoritative reference and input builder live on the scoring server;
editing this copy changes nothing except your own understanding.
"""

import jax, jax.numpy as jnp
import numpy as np

D = 512
P = 2048
K = 3
B = 16384
SEED = 42
INIT_KAPPA = 6.0


def _make_pairs():
    rng = np.random.RandomState(SEED)
    all_pairs = [(i, j) for i in range(D) for j in range(i + 1, D)]
    if len(all_pairs) == 0:
        all_pairs = [(0, 0)]
    if len(all_pairs) > P:
        sel = rng.choice(len(all_pairs), size=P, replace=False)
        all_pairs = [all_pairs[t] for t in sel]
    i_idx = np.array([p[0] for p in all_pairs], dtype=np.int64)
    j_idx = np.array([p[1] for p in all_pairs], dtype=np.int64)
    return i_idx, j_idx


def setup_inputs(seed: int = 0) -> dict:
    key = jax.random.key(seed)
    kx, _ = jax.random.split(key)
    x = jax.random.normal(kx, (B, D), dtype=jnp.float32)
    i_idx_np, j_idx_np = _make_pairs()
    i_idx = jnp.asarray(i_idx_np)
    j_idx = jnp.asarray(j_idx_np)
    th = jnp.zeros((i_idx_np.shape[0], K), dtype=jnp.float32)
    log_kappa = jnp.asarray(np.log(INIT_KAPPA), dtype=jnp.float32)
    return {"x": x, "th": th, "log_kappa": log_kappa, "i_idx": i_idx, "j_idx": j_idx}


def reference(x, th, log_kappa, i_idx, j_idx):
    kappa = jnp.clip(jnp.exp(log_kappa), 0.5, 50.0)
    xi = jnp.take(x, i_idx, axis=1)
    xj = jnp.take(x, j_idx, axis=1)
    diffs = xi - xj
    f = jax.nn.sigmoid(kappa * (diffs[:, :, None] - th[None, :, :]))
    return f.reshape(x.shape[0], -1)

if __name__ == "__main__":
    import jax
    _d = setup_inputs()
    print(jax.jit(kernel)(*tuple(_d.values())))

</pallas_src>

<mosaic_0001>
#map = affine_map<(d0, d1) -> (0, 0)>
#map1 = affine_map<(d0, d1) -> (0)>
module attributes {stable_mosaic.version = 14 : i64} {
  func.func @_sc_body(%arg0: i32, %arg1: i32, %arg2: memref<16384x512xf32, #tpu.memory_space<hbm>>, %arg3: memref<3x2048xf32, #tpu.memory_space<hbm>>, %arg4: memref<16xf32, #tpu.memory_space<hbm>>, %arg5: memref<2048xi32, #tpu.memory_space<hbm>>, %arg6: memref<2048xi32, #tpu.memory_space<hbm>>, %arg7: memref<16384x6144xf32, #tpu.memory_space<hbm>>, %arg8: memref<64x512xf32, #tpu.memory_space<vmem>>, %arg9: memref<2048xi32, #tpu.memory_space<vmem>>, %arg10: memref<2048xi32, #tpu.memory_space<vmem>>, %arg11: memref<3x2048xf32, #tpu.memory_space<vmem>>, %arg12: memref<64x384xf32, #tpu.memory_space<vmem>>, %arg13: memref<16xf32, #tpu.memory_space<vmem>>) attributes {dimension_semantics = [#tpu.dimension_semantics<core_parallel>, #tpu.dimension_semantics<subcore_parallel>], iteration_bounds = array<i64: 2, 16>, scalar_prefetch = 0 : i64, scratch_operands = 6 : i64, tpu.core_type = #tpu.core_type<sc_vector_subcore>, window_params = [{transform_indices = #map}, {transform_indices = #map}, {transform_indices = #map1}, {transform_indices = #map1}, {transform_indices = #map1}, {transform_indices = #map}]} {
    %mul3A = arith.constant 2 : i32
    %mul3A_0 = arith.muli %arg1, %mul3A : i32
    %add3A = arith.addi %mul3A_0, %arg0 : i32
    "tpu.region"() ({
      %run_scoped3A = tpu.sem_alloc : memref<!tpu.dma_semaphore, #tpu.memory_space<semaphore_mem>>
      tpu.enqueue_dma source(%arg5 : memref<2048xi32, #tpu.memory_space<hbm>>) target(%arg9 : memref<2048xi32, #tpu.memory_space<vmem>>) target_semaphore(%run_scoped3A : memref<!tpu.dma_semaphore, #tpu.memory_space<semaphore_mem>>)
      tpu.wait_dma2 semaphore(%run_scoped3A : memref<!tpu.dma_semaphore, #tpu.memory_space<semaphore_mem>>) src(%arg5 : memref<2048xi32, #tpu.memory_space<hbm>>) dst(%arg9 : memref<2048xi32, #tpu.memory_space<vmem>>)
      tpu.yield
    }) : () -> ()
    "tpu.region"() ({
      %run_scoped3A = tpu.sem_alloc : memref<!tpu.dma_semaphore, #tpu.memory_space<semaphore_mem>>
      tpu.enqueue_dma source(%arg6 : memref<2048xi32, #tpu.memory_space<hbm>>) target(%arg10 : memref<2048xi32, #tpu.memory_space<vmem>>) target_semaphore(%run_scoped3A : memref<!tpu.dma_semaphore, #tpu.memory_space<semaphore_mem>>)
      tpu.wait_dma2 semaphore(%run_scoped3A : memref<!tpu.dma_semaphore, #tpu.memory_space<semaphore_mem>>) src(%arg6 : memref<2048xi32, #tpu.memory_space<hbm>>) dst(%arg10 : memref<2048xi32, #tpu.memory_space<vmem>>)
      tpu.yield
    }) : () -> ()
    "tpu.region"() ({
      %run_scoped3A = tpu.sem_alloc : memref<!tpu.dma_semaphore, #tpu.memory_space<semaphore_mem>>
      tpu.enqueue_dma source(%arg3 : memref<3x2048xf32, #tpu.memory_space<hbm>>) target(%arg11 : memref<3x2048xf32, #tpu.memory_space<vmem>>) target_semaphore(%run_scoped3A : memref<!tpu.dma_semaphore, #tpu.memory_space<semaphore_mem>>)
      tpu.wait_dma2 semaphore(%run_scoped3A : memref<!tpu.dma_semaphore, #tpu.memory_space<semaphore_mem>>) src(%arg3 : memref<3x2048xf32, #tpu.memory_space<hbm>>) dst(%arg11 : memref<3x2048xf32, #tpu.memory_space<vmem>>)
      tpu.yield
    }) : () -> ()
    "tpu.region"() ({
      %run_scoped3A = tpu.sem_alloc : memref<!tpu.dma_semaphore, #tpu.memory_space<semaphore_mem>>
      tpu.enqueue_dma source(%arg4 : memref<16xf32, #tpu.memory_space<hbm>>) target(%arg13 : memref<16xf32, #tpu.memory_space<vmem>>) target_semaphore(%run_scoped3A : memref<!tpu.dma_semaphore, #tpu.memory_space<semaphore_mem>>)
      tpu.wait_dma2 semaphore(%run_scoped3A : memref<!tpu.dma_semaphore, #tpu.memory_space<semaphore_mem>>) src(%arg4 : memref<16xf32, #tpu.memory_space<hbm>>) dst(%arg13 : memref<16xf32, #tpu.memory_space<vmem>>)
      tpu.yield
    }) : () -> ()
    %get3A = arith.constant 0 : index
    %get3A_1 = tpu.vector_load %arg13[%get3A] {strides = array<i32>} : memref<16xf32, #tpu.memory_space<vmem>>, vector<16xf32>,
    %exp3A = math.exp %get3A_1 : vector<16xf32>
    %jit3A = arith.constant 5.000000e-01 : f32
    %jit3A_2 = arith.constant 5.000000e+01 : f32
    %max3A = vector.broadcast %jit3A : f32 to vector<16xf32>
    %max3A_3 = arith.maximumf %max3A, %exp3A : vector<16xf32>
    %min3A = vector.broadcast %jit3A_2 : f32 to vector<16xf32>
    %min3A_4 = arith.minimumf %min3A, %max3A_3 : vector<16xf32>
    %iota3A = tpu.iota {dimensions = array<i32: 0>} : vector<16xi32>
    %mul3A_5 = arith.constant 3 : i32
    %mul3A_6 = vector.broadcast %mul3A_5 : i32 to vector<16xi32>
    %mul3A_7 = arith.muli %iota3A, %mul3A_6 : vector<16xi32>
    %add3A_8 = arith.constant 0 : i32
    %add3A_9 = vector.broadcast %add3A_8 : i32 to vector<16xi32>
    %add3A_10 = arith.addi %mul3A_7, %add3A_9 : vector<16xi32>
    %mul3A_11 = arith.constant 3 : i32
    %mul3A_12 = vector.broadcast %mul3A_11 : i32 to vector<16xi32>
    %mul3A_13 = arith.muli %iota3A, %mul3A_12 : vector<16xi32>
    %add3A_14 = arith.constant 1 : i32
    %add3A_15 = vector.broadcast %add3A_14 : i32 to vector<16xi32>
    %add3A_16 = arith.addi %mul3A_13, %add3A_15 : vector<16xi32>
    %mul3A_17 = arith.constant 3 : i32
    %mul3A_18 = vector.broadcast %mul3A_17 : i32 to vector<16xi32>
    %mul3A_19 = arith.muli %iota3A, %mul3A_18 : vector<16xi32>
    %add3A_20 = arith.constant 2 : i32
    %add3A_21 = vector.broadcast %add3A_20 : i32 to vector<16xi32>
    %add3A_22 = arith.addi %mul3A_19, %add3A_21 : vector<16xi32>
    %scan3A = arith.constant 0 : i32
    %scan3A_23 = arith.constant 8 : i32
    %scan3A_24 = arith.addi %scan3A, %scan3A_23 : i32
    %scan3A_25 = arith.constant 1 : i32
    scf.for %scan3A_27 = %scan3A to %scan3A_24 step %scan3A_25  : i32 {
      %mul3A_28 = arith.constant 512 : i32
      %mul3A_29 = arith.muli %add3A, %mul3A_28 : i32
      %mul3A_30 = arith.constant 64 : i32
      %mul3A_31 = arith.muli %scan3A_27, %mul3A_30 : i32
      %add3A_32 = arith.addi %mul3A_29, %mul3A_31 : i32
      "tpu.region"() ({
        %run_scoped3A = tpu.sem_alloc : memref<!tpu.dma_semaphore, #tpu.memory_space<semaphore_mem>>
        %dma_start3A = arith.constant 0 : i32
        %dma_start3A_38 = tpu.memref_slice %arg2[%add3A_32, %dma_start3A] : memref<16384x512xf32, #tpu.memory_space<hbm>> -> memref<64x512xf32, #tpu.memory_space<hbm>>
        %dma_start3A_39 = arith.constant 0 : i32
        %dma_start3A_40 = tpu.memref_slice %arg2[%add3A_32, %dma_start3A_39] : memref<16384x512xf32, #tpu.memory_space<hbm>> -> memref<64x512xf32, #tpu.memory_space<hbm>>
        tpu.enqueue_dma source(%dma_start3A_40 : memref<64x512xf32, #tpu.memory_space<hbm>>) target(%arg8 : memref<64x512xf32, #tpu.memory_space<vmem>>) target_semaphore(%run_scoped3A : memref<!tpu.dma_semaphore, #tpu.memory_space<semaphore_mem>>)
        %dma_wait3A = arith.constant 0 : i32
        %dma_wait3A_41 = tpu.memref_slice %arg2[%add3A_32, %dma_wait3A] : memref<16384x512xf32, #tpu.memory_space<hbm>> -> memref<64x512xf32, #tpu.memory_space<hbm>>
        %dma_wait3A_42 = arith.constant 0 : i32
        %dma_wait3A_43 = tpu.memref_slice %arg2[%add3A_32, %dma_wait3A_42] : memref<16384x512xf32, #tpu.memory_space<hbm>> -> memref<64x512xf32, #tpu.memory_space<hbm>>
        tpu.wait_dma2 semaphore(%run_scoped3A : memref<!tpu.dma_semaphore, #tpu.memory_space<semaphore_mem>>) src(%dma_wait3A_43 : memref<64x512xf32, #tpu.memory_space<hbm>>) dst(%arg8 : memref<64x512xf32, #tpu.memory_space<vmem>>)
        tpu.yield
      }) : () -> ()
      %scan3A_33 = arith.constant 0 : i32
      %scan3A_34 = arith.constant 16 : i32
      %scan3A_35 = arith.addi %scan3A_33, %scan3A_34 : i32
      %scan3A_36 = arith.constant 1 : i32
      scf.for %scan3A_38 = %scan3A_33 to %scan3A_35 step %scan3A_36  : i32 {
        %mul3A_39 = arith.constant 8 : i32
        %mul3A_40 = arith.muli %scan3A_38, %mul3A_39 : i32
        %add3A_41 = arith.constant 0 : i32
        %add3A_42 = arith.addi %mul3A_40, %add3A_41 : i32
        %mul3A_43 = arith.constant 16 : i32
        %mul3A_44 = arith.muli %add3A_42, %mul3A_43 : i32
        %get3A_45 = arith.index_cast %mul3A_44 : i32 to index
        %get3A_46 = tpu.vector_load %arg9[%get3A_45] {strides = array<i32>} : memref<2048xi32, #tpu.memory_space<vmem>>, vector<16xi32>,
        %mul3A_47 = arith.constant 16 : i32
        %mul3A_48 = arith.muli %add3A_42, %mul3A_47 : i32
        %get3A_49 = arith.index_cast %mul3A_48 : i32 to index
        %get3A_50 = tpu.vector_load %arg10[%get3A_49] {strides = array<i32>} : memref<2048xi32, #tpu.memory_space<vmem>>, vector<16xi32>,
        %mul3A_51 = arith.constant 16 : i32
        %mul3A_52 = arith.muli %add3A_42, %mul3A_51 : i32
        %get3A_53 = arith.constant 0 : i32
        %get3A_54 = arith.index_cast %get3A_53 : i32 to index
        %get3A_55 = arith.index_cast %mul3A_52 : i32 to index
        %get3A_56 = tpu.vector_load %arg11[%get3A_54, %get3A_55] {strides = array<i32>} : memref<3x2048xf32, #tpu.memory_space<vmem>>, vector<16xf32>,
        %mul3A_57 = arith.mulf %min3A_4, %get3A_56 : vector<16xf32>
        %mul3A_58 = arith.constant 16 : i32
        %mul3A_59 = arith.muli %add3A_42, %mul3A_58 : i32
        %get3A_60 = arith.constant 1 : i32
        %get3A_61 = arith.index_cast %get3A_60 : i32 to index
        %get3A_62 = arith.index_cast %mul3A_59 : i32 to index
        %get3A_63 = tpu.vector_load %arg11[%get3A_61, %get3A_62] {strides = array<i32>} : memref<3x2048xf32, #tpu.memory_space<vmem>>, vector<16xf32>,
        %mul3A_64 = arith.mulf %min3A_4, %get3A_63 : vector<16xf32>
        %mul3A_65 = arith.constant 16 : i32
        %mul3A_66 = arith.muli %add3A_42, %mul3A_65 : i32
        %get3A_67 = arith.constant 2 : i32
        %get3A_68 = arith.index_cast %get3A_67 : i32 to index
        %get3A_69 = arith.index_cast %mul3A_66 : i32 to index
        %get3A_70 = tpu.vector_load %arg11[%get3A_68, %get3A_69] {strides = array<i32>} : memref<3x2048xf32, #tpu.memory_space<vmem>>, vector<16xf32>,
        %mul3A_71 = arith.mulf %min3A_4, %get3A_70 : vector<16xf32>
        %add3A_72 = arith.constant 0 : i32
        %add3A_73 = vector.broadcast %add3A_72 : i32 to vector<16xi32>
        %add3A_74 = arith.addi %add3A_10, %add3A_73 : vector<16xi32>
        %add3A_75 = arith.constant 0 : i32
        %add3A_76 = vector.broadcast %add3A_75 : i32 to vector<16xi32>
        %add3A_77 = arith.addi %add3A_16, %add3A_76 : vector<16xi32>
        %add3A_78 = arith.constant 0 : i32
        %add3A_79 = vector.broadcast %add3A_78 : i32 to vector<16xi32>
        %add3A_80 = arith.addi %add3A_22, %add3A_79 : vector<16xi32>
        %scan3A_81 = arith.constant 0 : i32
        %scan3A_82 = arith.constant 64 : i32
        %scan3A_83 = arith.addi %scan3A_81, %scan3A_82 : i32
        %scan3A_84 = arith.constant 1 : i32
        scf.for %scan3A_421 = %scan3A_81 to %scan3A_83 step %scan3A_84  : i32 {
          %broadcast_in_dim3A = vector.broadcast %scan3A_421 : i32 to vector<16xi32>
          %gather3A = tpu.vector_load_idx %arg8[%broadcast_in_dim3A, %get3A_46] : memref<64x512xf32, #tpu.memory_space<vmem>>[vector<16xi32>, vector<16xi32>], vector<16xf32>,
          %gather3A_422 = tpu.vector_load_idx %arg8[%broadcast_in_dim3A, %get3A_50] : memref<64x512xf32, #tpu.memory_space<vmem>>[vector<16xi32>, vector<16xi32>], vector<16xf32>,
          %sub3A = arith.subf %gather3A, %gather3A_422 : vector<16xf32>
          %mul3A_423 = arith.mulf %min3A_4, %sub3A : vector<16xf32>
          %sub3A_424 = arith.subf %mul3A_423, %mul3A_57 : vector<16xf32>
          %neg3A = arith.constant 0.000000e+00 : f32
          %neg3A_425 = vector.broadcast %neg3A : f32 to vector<16xf32>
          %neg3A_426 = arith.subf %neg3A_425, %sub3A_424 : vector<16xf32>
          %exp3A_427 = math.exp %neg3A_426 : vector<16xf32>
          %add3A_428 = arith.constant 1.000000e+00 : f32
          %add3A_429 = vector.broadcast %add3A_428 : f32 to vector<16xf32>
          %add3A_430 = arith.addf %add3A_429, %exp3A_427 : vector<16xf32>
          %div3A = arith.constant 1.000000e+00 : f32
          %div3A_431 = vector.broadcast %div3A : f32 to vector<16xf32>
          %div3A_432 = arith.divf %div3A_431, %add3A_430 : vector<16xf32>
          tpu.vector_store_idx %arg12[%broadcast_in_dim3A, %add3A_74], %div3A_432 : memref<64x384xf32, #tpu.memory_space<vmem>>[vector<16xi32>, vector<16xi32>], vector<16xf32>,
          %sub3A_433 = arith.subf %mul3A_423, %mul3A_64 : vector<16xf32>
          %neg3A_434 = arith.constant 0.000000e+00 : f32
          %neg3A_435 = vector.broadcast %neg3A_434 : f32 to vector<16xf32>
          %neg3A_436 = arith.subf %neg3A_435, %sub3A_433 : vector<16xf32>
          %exp3A_437 = math.exp %neg3A_436 : vector<16xf32>
          %add3A_438 = arith.constant 1.000000e+00 : f32
          %add3A_439 = vector.broadcast %add3A_438 : f32 to vector<16xf32>
          %add3A_440 = arith.addf %add3A_439, %exp3A_437 : vector<16xf32>
          %div3A_441 = arith.constant 1.000000e+00 : f32
          %div3A_442 = vector.broadcast %div3A_441 : f32 to vector<16xf32>
          %div3A_443 = arith.divf %div3A_442, %add3A_440 : vector<16xf32>
          tpu.vector_store_idx %arg12[%broadcast_in_dim3A, %add3A_77], %div3A_443 : memref<64x384xf32, #tpu.memory_space<vmem>>[vector<16xi32>, vector<16xi32>], vector<16xf32>,
          %sub3A_444 = arith.subf %mul3A_423, %mul3A_71 : vector<16xf32>
          %neg3A_445 = arith.constant 0.000000e+00 : f32
          %neg3A_446 = vector.broadcast %neg3A_445 : f32 to vector<16xf32>
          %neg3A_447 = arith.subf %neg3A_446, %sub3A_444 : vector<16xf32>
          %exp3A_448 = math.exp %neg3A_447 : vector<16xf32>
          %add3A_449 = arith.constant 1.000000e+00 : f32
          %add3A_450 = vector.broadcast %add3A_449 : f32 to vector<16xf32>
          %add3A_451 = arith.addf %add3A_450, %exp3A_448 : vector<16xf32>
          %div3A_452 = arith.constant 1.000000e+00 : f32
          %div3A_453 = vector.broadcast %div3A_452 : f32 to vector<16xf32>
          %div3A_454 = arith.divf %div3A_453, %add3A_451 : vector<16xf32>
          tpu.vector_store_idx %arg12[%broadcast_in_dim3A, %add3A_80], %div3A_454 : memref<64x384xf32, #tpu.memory_space<vmem>>[vector<16xi32>, vector<16xi32>], vector<16xf32>,
        }
        %scan3A_85 = arith.constant 64 : i32
        %mul3A_86 = arith.constant 8 : i32
        %mul3A_87 = arith.muli %scan3A_38, %mul3A_86 : i32
        %add3A_88 = arith.constant 1 : i32
        %add3A_89 = arith.addi %mul3A_87, %add3A_88 : i32
        %mul3A_90 = arith.constant 16 : i32
        %mul3A_91 = arith.muli %add3A_89, %mul3A_90 : i32
        %get3A_92 = arith.index_cast %mul3A_91 : i32 to index
        %get3A_93 = tpu.vector_load %arg9[%get3A_92] {strides = array<i32>} : memref<2048xi32, #tpu.memory_space<vmem>>, vector<16xi32>,
        %mul3A_94 = arith.constant 16 : i32
        %mul3A_95 = arith.muli %add3A_89, %mul3A_94 : i32
        %get3A_96 = arith.index_cast %mul3A_95 : i32 to index
        %get3A_97 = tpu.vector_load %arg10[%get3A_96] {strides = array<i32>} : memref<2048xi32, #tpu.memory_space<vmem>>, vector<16xi32>,
        %mul3A_98 = arith.constant 16 : i32
        %mul3A_99 = arith.muli %add3A_89, %mul3A_98 : i32
        %get3A_100 = arith.constant 0 : i32
        %get3A_101 = arith.index_cast %get3A_100 : i32 to index
        %get3A_102 = arith.index_cast %mul3A_99 : i32 to index
        %get3A_103 = tpu.vector_load %arg11[%get3A_101, %get3A_102] {strides = array<i32>} : memref<3x2048xf32, #tpu.memory_space<vmem>>, vector<16xf32>,
        %mul3A_104 = arith.mulf %min3A_4, %get3A_103 : vector<16xf32>
        %mul3A_105 = arith.constant 16 : i32
        %mul3A_106 = arith.muli %add3A_89, %mul3A_105 : i32
        %get3A_107 = arith.constant 1 : i32
        %get3A_108 = arith.index_cast %get3A_107 : i32 to index
        %get3A_109 = arith.index_cast %mul3A_106 : i32 to index
        %get3A_110 = tpu.vector_load %arg11[%get3A_108, %get3A_109] {strides = array<i32>} : memref<3x2048xf32, #tpu.memory_space<vmem>>, vector<16xf32>,
        %mul3A_111 = arith.mulf %min3A_4, %get3A_110 : vector<16xf32>
        %mul3A_112 = arith.constant 16 : i32
        %mul3A_113 = arith.muli %add3A_89, %mul3A_112 : i32
        %get3A_114 = arith.constant 2 : i32
        %get3A_115 = arith.index_cast %get3A_114 : i32 to index
        %get3A_116 = arith.index_cast %mul3A_113 : i32 to index
        %get3A_117 = tpu.vector_load %arg11[%get3A_115, %get3A_116] {strides = array<i32>} : memref<3x2048xf32, #tpu.memory_space<vmem>>, vector<16xf32>,
        %mul3A_118 = arith.mulf %min3A_4, %get3A_117 : vector<16xf32>
        %add3A_119 = arith.constant 48 : i32
        %add3A_120 = vector.broadcast %add3A_119 : i32 to vector<16xi32>
        %add3A_121 = arith.addi %add3A_10, %add3A_120 : vector<16xi32>
        %add3A_122 = arith.constant 48 : i32
        %add3A_123 = vector.broadcast %add3A_122 : i32 to vector<16xi32>
        %add3A_124 = arith.addi %add3A_16, %add3A_123 : vector<16xi32>
        %add3A_125 = arith.constant 48 : i32
        %add3A_126 = vector.broadcast %add3A_125 : i32 to vector<16xi32>
        %add3A_127 = arith.addi %add3A_22, %add3A_126 : vector<16xi32>
        %scan3A_128 = arith.constant 0 : i32
        %scan3A_129 = arith.constant 64 : i32
        %scan3A_130 = arith.addi %scan3A_128, %scan3A_129 : i32
        %scan3A_131 = arith.constant 1 : i32
        scf.for %scan3A_421 = %scan3A_128 to %scan3A_130 step %scan3A_131  : i32 {
          %broadcast_in_dim3A = vector.broadcast %scan3A_421 : i32 to vector<16xi32>
          %gather3A = tpu.vector_load_idx %arg8[%broadcast_in_dim3A, %get3A_93] : memref<64x512xf32, #tpu.memory_space<vmem>>[vector<16xi32>, vector<16xi32>], vector<16xf32>,
          %gather3A_422 = tpu.vector_load_idx %arg8[%broadcast_in_dim3A, %get3A_97] : memref<64x512xf32, #tpu.memory_space<vmem>>[vector<16xi32>, vector<16xi32>], vector<16xf32>,
          %sub3A = arith.subf %gather3A, %gather3A_422 : vector<16xf32>
          %mul3A_423 = arith.mulf %min3A_4, %sub3A : vector<16xf32>
          %sub3A_424 = arith.subf %mul3A_423, %mul3A_104 : vector<16xf32>
          %neg3A = arith.constant 0.000000e+00 : f32
          %neg3A_425 = vector.broadcast %neg3A : f32 to vector<16xf32>
          %neg3A_426 = arith.subf %neg3A_425, %sub3A_424 : vector<16xf32>
          %exp3A_427 = math.exp %neg3A_426 : vector<16xf32>
          %add3A_428 = arith.constant 1.000000e+00 : f32
          %add3A_429 = vector.broadcast %add3A_428 : f32 to vector<16xf32>
          %add3A_430 = arith.addf %add3A_429, %exp3A_427 : vector<16xf32>
          %div3A = arith.constant 1.000000e+00 : f32
          %div3A_431 = vector.broadcast %div3A : f32 to vector<16xf32>
          %div3A_432 = arith.divf %div3A_431, %add3A_430 : vector<16xf32>
          tpu.vector_store_idx %arg12[%broadcast_in_dim3A, %add3A_121], %div3A_432 : memref<64x384xf32, #tpu.memory_space<vmem>>[vector<16xi32>, vector<16xi32>], vector<16xf32>,
          %sub3A_433 = arith.subf %mul3A_423, %mul3A_111 : vector<16xf32>
          %neg3A_434 = arith.constant 0.000000e+00 : f32
          %neg3A_435 = vector.broadcast %neg3A_434 : f32 to vector<16xf32>
          %neg3A_436 = arith.subf %neg3A_435, %sub3A_433 : vector<16xf32>
          %exp3A_437 = math.exp %neg3A_436 : vector<16xf32>
          %add3A_438 = arith.constant 1.000000e+00 : f32
          %add3A_439 = vector.broadcast %add3A_438 : f32 to vector<16xf32>
          %add3A_440 = arith.addf %add3A_439, %exp3A_437 : vector<16xf32>
          %div3A_441 = arith.constant 1.000000e+00 : f32
          %div3A_442 = vector.broadcast %div3A_441 : f32 to vector<16xf32>
          %div3A_443 = arith.divf %div3A_442, %add3A_440 : vector<16xf32>
          tpu.vector_store_idx %arg12[%broadcast_in_dim3A, %add3A_124], %div3A_443 : memref<64x384xf32, #tpu.memory_space<vmem>>[vector<16xi32>, vector<16xi32>], vector<16xf32>,
          %sub3A_444 = arith.subf %mul3A_423, %mul3A_118 : vector<16xf32>
          %neg3A_445 = arith.constant 0.000000e+00 : f32
          %neg3A_446 = vector.broadcast %neg3A_445 : f32 to vector<16xf32>
          %neg3A_447 = arith.subf %neg3A_446, %sub3A_444 : vector<16xf32>
          %exp3A_448 = math.exp %neg3A_447 : vector<16xf32>
          %add3A_449 = arith.constant 1.000000e+00 : f32
          %add3A_450 = vector.broadcast %add3A_449 : f32 to vector<16xf32>
          %add3A_451 = arith.addf %add3A_450, %exp3A_448 : vector<16xf32>
          %div3A_452 = arith.constant 1.000000e+00 : f32
          %div3A_453 = vector.broadcast %div3A_452 : f32 to vector<16xf32>
          %div3A_454 = arith.divf %div3A_453, %add3A_451 : vector<16xf32>
          tpu.vector_store_idx %arg12[%broadcast_in_dim3A, %add3A_127], %div3A_454 : memref<64x384xf32, #tpu.memory_space<vmem>>[vector<16xi32>, vector<16xi32>], vector<16xf32>,
        }
        %scan3A_132 = arith.constant 64 : i32
        %mul3A_133 = arith.constant 8 : i32
        %mul3A_134 = arith.muli %scan3A_38, %mul3A_133 : i32
        %add3A_135 = arith.constant 2 : i32
        %add3A_136 = arith.addi %mul3A_134, %add3A_135 : i32
        %mul3A_137 = arith.constant 16 : i32
        %mul3A_138 = arith.muli %add3A_136, %mul3A_137 : i32
        %get3A_139 = arith.index_cast %mul3A_138 : i32 to index
        %get3A_140 = tpu.vector_load %arg9[%get3A_139] {strides = array<i32>} : memref<2048xi32, #tpu.memory_space<vmem>>, vector<16xi32>,
        %mul3A_141 = arith.constant 16 : i32
        %mul3A_142 = arith.muli %add3A_136, %mul3A_141 : i32
        %get3A_143 = arith.index_cast %mul3A_142 : i32 to index
        %get3A_144 = tpu.vector_load %arg10[%get3A_143] {strides = array<i32>} : memref<2048xi32, #tpu.memory_space<vmem>>, vector<16xi32>,
        %mul3A_145 = arith.constant 16 : i32
        %mul3A_146 = arith.muli %add3A_136, %mul3A_145 : i32
        %get3A_147 = arith.constant 0 : i32
        %get3A_148 = arith.index_cast %get3A_147 : i32 to index
        %get3A_149 = arith.index_cast %mul3A_146 : i32 to index
        %get3A_150 = tpu.vector_load %arg11[%get3A_148, %get3A_149] {strides = array<i32>} : memref<3x2048xf32, #tpu.memory_space<vmem>>, vector<16xf32>,
        %mul3A_151 = arith.mulf %min3A_4, %get3A_150 : vector<16xf32>
        %mul3A_152 = arith.constant 16 : i32
        %mul3A_153 = arith.muli %add3A_136, %mul3A_152 : i32
        %get3A_154 = arith.constant 1 : i32
        %get3A_155 = arith.index_cast %get3A_154 : i32 to index
        %get3A_156 = arith.index_cast %mul3A_153 : i32 to index
        %get3A_157 = tpu.vector_load %arg11[%get3A_155, %get3A_156] {strides = array<i32>} : memref<3x2048xf32, #tpu.memory_space<vmem>>, vector<16xf32>,
        %mul3A_158 = arith.mulf %min3A_4, %get3A_157 : vector<16xf32>
        %mul3A_159 = arith.constant 16 : i32
        %mul3A_160 = arith.muli %add3A_136, %mul3A_159 : i32
        %get3A_161 = arith.constant 2 : i32
        %get3A_162 = arith.index_cast %get3A_161 : i32 to index
        %get3A_163 = arith.index_cast %mul3A_160 : i32 to index
        %get3A_164 = tpu.vector_load %arg11[%get3A_162, %get3A_163] {strides = array<i32>} : memref<3x2048xf32, #tpu.memory_space<vmem>>, vector<16xf32>,
        %mul3A_165 = arith.mulf %min3A_4, %get3A_164 : vector<16xf32>
        %add3A_166 = arith.constant 96 : i32
        %add3A_167 = vector.broadcast %add3A_166 : i32 to vector<16xi32>
        %add3A_168 = arith.addi %add3A_10, %add3A_167 : vector<16xi32>
        %add3A_169 = arith.constant 96 : i32
        %add3A_170 = vector.broadcast %add3A_169 : i32 to vector<16xi32>
        %add3A_171 = arith.addi %add3A_16, %add3A_170 : vector<16xi32>
        %add3A_172 = arith.constant 96 : i32
        %add3A_173 = vector.broadcast %add3A_172 : i32 to vector<16xi32>
        %add3A_174 = arith.addi %add3A_22, %add3A_173 : vector<16xi32>
        %scan3A_175 = arith.constant 0 : i32
        %scan3A_176 = arith.constant 64 : i32
        %scan3A_177 = arith.addi %scan3A_175, %scan3A_176 : i32
        %scan3A_178 = arith.constant 1 : i32
        scf.for %scan3A_421 = %scan3A_175 to %scan3A_177 step %scan3A_178  : i32 {
          %broadcast_in_dim3A = vector.broadcast %scan3A_421 : i32 to vector<16xi32>
          %gather3A = tpu.vector_load_idx %arg8[%broadcast_in_dim3A, %get3A_140] : memref<64x512xf32, #tpu.memory_space<vmem>>[vector<16xi32>, vector<16xi32>], vector<16xf32>,
          %gather3A_422 = tpu.vector_load_idx %arg8[%broadcast_in_dim3A, %get3A_144] : memref<64x512xf32, #tpu.memory_space<vmem>>[vector<16xi32>, vector<16xi32>], vector<16xf32>,
          %sub3A = arith.subf %gather3A, %gather3A_422 : vector<16xf32>
          %mul3A_423 = arith.mulf %min3A_4, %sub3A : vector<16xf32>
          %sub3A_424 = arith.subf %mul3A_423, %mul3A_151 : vector<16xf32>
          %neg3A = arith.constant 0.000000e+00 : f32
          %neg3A_425 = vector.broadcast %neg3A : f32 to vector<16xf32>
          %neg3A_426 = arith.subf %neg3A_425, %sub3A_424 : vector<16xf32>
          %exp3A_427 = math.exp %neg3A_426 : vector<16xf32>
          %add3A_428 = arith.constant 1.000000e+00 : f32
          %add3A_429 = vector.broadcast %add3A_428 : f32 to vector<16xf32>
          %add3A_430 = arith.addf %add3A_429, %exp3A_427 : vector<16xf32>
          %div3A = arith.constant 1.000000e+00 : f32
          %div3A_431 = vector.broadcast %div3A : f32 to vector<16xf32>
          %div3A_432 = arith.divf %div3A_431, %add3A_430 : vector<16xf32>
          tpu.vector_store_idx %arg12[%broadcast_in_dim3A, %add3A_168], %div3A_432 : memref<64x384xf32, #tpu.memory_space<vmem>>[vector<16xi32>, vector<16xi32>], vector<16xf32>,
          %sub3A_433 = arith.subf %mul3A_423, %mul3A_158 : vector<16xf32>
          %neg3A_434 = arith.constant 0.000000e+00 : f32
          %neg3A_435 = vector.broadcast %neg3A_434 : f32 to vector<16xf32>
          %neg3A_436 = arith.subf %neg3A_435, %sub3A_433 : vector<16xf32>
          %exp3A_437 = math.exp %neg3A_436 : vector<16xf32>
          %add3A_438 = arith.constant 1.000000e+00 : f32
          %add3A_439 = vector.broadcast %add3A_438 : f32 to vector<16xf32>
          %add3A_440 = arith.addf %add3A_439, %exp3A_437 : vector<16xf32>
          %div3A_441 = arith.constant 1.000000e+00 : f32
          %div3A_442 = vector.broadcast %div3A_441 : f32 to vector<16xf32>
          %div3A_443 = arith.divf %div3A_442, %add3A_440 : vector<16xf32>
          tpu.vector_store_idx %arg12[%broadcast_in_dim3A, %add3A_171], %div3A_443 : memref<64x384xf32, #tpu.memory_space<vmem>>[vector<16xi32>, vector<16xi32>], vector<16xf32>,
          %sub3A_444 = arith.subf %mul3A_423, %mul3A_165 : vector<16xf32>
          %neg3A_445 = arith.constant 0.000000e+00 : f32
          %neg3A_446 = vector.broadcast %neg3A_445 : f32 to vector<16xf32>
          %neg3A_447 = arith.subf %neg3A_446, %sub3A_444 : vector<16xf32>
          %exp3A_448 = math.exp %neg3A_447 : vector<16xf32>
          %add3A_449 = arith.constant 1.000000e+00 : f32
          %add3A_450 = vector.broadcast %add3A_449 : f32 to vector<16xf32>
          %add3A_451 = arith.addf %add3A_450, %exp3A_448 : vector<16xf32>
          %div3A_452 = arith.constant 1.000000e+00 : f32
          %div3A_453 = vector.broadcast %div3A_452 : f32 to vector<16xf32>
          %div3A_454 = arith.divf %div3A_453, %add3A_451 : vector<16xf32>
          tpu.vector_store_idx %arg12[%broadcast_in_dim3A, %add3A_174], %div3A_454 : memref<64x384xf32, #tpu.memory_space<vmem>>[vector<16xi32>, vector<16xi32>], vector<16xf32>,
        }
        %scan3A_179 = arith.constant 64 : i32
        %mul3A_180 = arith.constant 8 : i32
        %mul3A_181 = arith.muli %scan3A_38, %mul3A_180 : i32
        %add3A_182 = arith.constant 3 : i32
        %add3A_183 = arith.addi %mul3A_181, %add3A_182 : i32
        %mul3A_184 = arith.constant 16 : i32
        %mul3A_185 = arith.muli %add3A_183, %mul3A_184 : i32
        %get3A_186 = arith.index_cast %mul3A_185 : i32 to index
        %get3A_187 = tpu.vector_load %arg9[%get3A_186] {strides = array<i32>} : memref<2048xi32, #tpu.memory_space<vmem>>, vector<16xi32>,
        %mul3A_188 = arith.constant 16 : i32
        %mul3A_189 = arith.muli %add3A_183, %mul3A_188 : i32
        %get3A_190 = arith.index_cast %mul3A_189 : i32 to index
        %get3A_191 = tpu.vector_load %arg10[%get3A_190] {strides = array<i32>} : memref<2048xi32, #tpu.memory_space<vmem>>, vector<16xi32>,
        %mul3A_192 = arith.constant 16 : i32
        %mul3A_193 = arith.muli %add3A_183, %mul3A_192 : i32
        %get3A_194 = arith.constant 0 : i32
        %get3A_195 = arith.index_cast %get3A_194 : i32 to index
        %get3A_196 = arith.index_cast %mul3A_193 : i32 to index
        %get3A_197 = tpu.vector_load %arg11[%get3A_195, %get3A_196] {strides = array<i32>} : memref<3x2048xf32, #tpu.memory_space<vmem>>, vector<16xf32>,
        %mul3A_198 = arith.mulf %min3A_4, %get3A_197 : vector<16xf32>
        %mul3A_199 = arith.constant 16 : i32
        %mul3A_200 = arith.muli %add3A_183, %mul3A_199 : i32
        %get3A_201 = arith.constant 1 : i32
        %get3A_202 = arith.index_cast %get3A_201 : i32 to index
        %get3A_203 = arith.index_cast %mul3A_200 : i32 to index
        %get3A_204 = tpu.vector_load %arg11[%get3A_202, %get3A_203] {strides = array<i32>} : memref<3x2048xf32, #tpu.memory_space<vmem>>, vector<16xf32>,
        %mul3A_205 = arith.mulf %min3A_4, %get3A_204 : vector<16xf32>
        %mul3A_206 = arith.constant 16 : i32
        %mul3A_207 = arith.muli %add3A_183, %mul3A_206 : i32
        %get3A_208 = arith.constant 2 : i32
        %get3A_209 = arith.index_cast %get3A_208 : i32 to index
        %get3A_210 = arith.index_cast %mul3A_207 : i32 to index
        %get3A_211 = tpu.vector_load %arg11[%get3A_209, %get3A_210] {strides = array<i32>} : memref<3x2048xf32, #tpu.memory_space<vmem>>, vector<16xf32>,
        %mul3A_212 = arith.mulf %min3A_4, %get3A_211 : vector<16xf32>
        %add3A_213 = arith.constant 144 : i32
        %add3A_214 = vector.broadcast %add3A_213 : i32 to vector<16xi32>
        %add3A_215 = arith.addi %add3A_10, %add3A_214 : vector<16xi32>
        %add3A_216 = arith.constant 144 : i32
        %add3A_217 = vector.broadcast %add3A_216 : i32 to vector<16xi32>
        %add3A_218 = arith.addi %add3A_16, %add3A_217 : vector<16xi32>
        %add3A_219 = arith.constant 144 : i32
        %add3A_220 = vector.broadcast %add3A_219 : i32 to vector<16xi32>
        %add3A_221 = arith.addi %add3A_22, %add3A_220 : vector<16xi32>
        %scan3A_222 = arith.constant 0 : i32
        %scan3A_223 = arith.constant 64 : i32
        %scan3A_224 = arith.addi %scan3A_222, %scan3A_223 : i32
        %scan3A_225 = arith.constant 1 : i32
        scf.for %scan3A_421 = %scan3A_222 to %scan3A_224 step %scan3A_225  : i32 {
          %broadcast_in_dim3A = vector.broadcast %scan3A_421 : i32 to vector<16xi32>
          %gather3A = tpu.vector_load_idx %arg8[%broadcast_in_dim3A, %get3A_187] : memref<64x512xf32, #tpu.memory_space<vmem>>[vector<16xi32>, vector<16xi32>], vector<16xf32>,
          %gather3A_422 = tpu.vector_load_idx %arg8[%broadcast_in_dim3A, %get3A_191] : memref<64x512xf32, #tpu.memory_space<vmem>>[vector<16xi32>, vector<16xi32>], vector<16xf32>,
          %sub3A = arith.subf %gather3A, %gather3A_422 : vector<16xf32>
          %mul3A_423 = arith.mulf %min3A_4, %sub3A : vector<16xf32>
          %sub3A_424 = arith.subf %mul3A_423, %mul3A_198 : vector<16xf32>
          %neg3A = arith.constant 0.000000e+00 : f32
          %neg3A_425 = vector.broadcast %neg3A : f32 to vector<16xf32>
          %neg3A_426 = arith.subf %neg3A_425, %sub3A_424 : vector<16xf32>
          %exp3A_427 = math.exp %neg3A_426 : vector<16xf32>
          %add3A_428 = arith.constant 1.000000e+00 : f32
          %add3A_429 = vector.broadcast %add3A_428 : f32 to vector<16xf32>
          %add3A_430 = arith.addf %add3A_429, %exp3A_427 : vector<16xf32>
          %div3A = arith.constant 1.000000e+00 : f32
          %div3A_431 = vector.broadcast %div3A : f32 to vector<16xf32>
          %div3A_432 = arith.divf %div3A_431, %add3A_430 : vector<16xf32>
          tpu.vector_store_idx %arg12[%broadcast_in_dim3A, %add3A_215], %div3A_432 : memref<64x384xf32, #tpu.memory_space<vmem>>[vector<16xi32>, vector<16xi32>], vector<16xf32>,
          %sub3A_433 = arith.subf %mul3A_423, %mul3A_205 : vector<16xf32>
          %neg3A_434 = arith.constant 0.000000e+00 : f32
          %neg3A_435 = vector.broadcast %neg3A_434 : f32 to vector<16xf32>
          %neg3A_436 = arith.subf %neg3A_435, %sub3A_433 : vector<16xf32>
          %exp3A_437 = math.exp %neg3A_436 : vector<16xf32>
          %add3A_438 = arith.constant 1.000000e+00 : f32
          %add3A_439 = vector.broadcast %add3A_438 : f32 to vector<16xf32>
          %add3A_440 = arith.addf %add3A_439, %exp3A_437 : vector<16xf32>
          %div3A_441 = arith.constant 1.000000e+00 : f32
          %div3A_442 = vector.broadcast %div3A_441 : f32 to vector<16xf32>
          %div3A_443 = arith.divf %div3A_442, %add3A_440 : vector<16xf32>
          tpu.vector_store_idx %arg12[%broadcast_in_dim3A, %add3A_218], %div3A_443 : memref<64x384xf32, #tpu.memory_space<vmem>>[vector<16xi32>, vector<16xi32>], vector<16xf32>,
          %sub3A_444 = arith.subf %mul3A_423, %mul3A_212 : vector<16xf32>
          %neg3A_445 = arith.constant 0.000000e+00 : f32
          %neg3A_446 = vector.broadcast %neg3A_445 : f32 to vector<16xf32>
          %neg3A_447 = arith.subf %neg3A_446, %sub3A_444 : vector<16xf32>
          %exp3A_448 = math.exp %neg3A_447 : vector<16xf32>
          %add3A_449 = arith.constant 1.000000e+00 : f32
          %add3A_450 = vector.broadcast %add3A_449 : f32 to vector<16xf32>
          %add3A_451 = arith.addf %add3A_450, %exp3A_448 : vector<16xf32>
          %div3A_452 = arith.constant 1.000000e+00 : f32
          %div3A_453 = vector.broadcast %div3A_452 : f32 to vector<16xf32>
          %div3A_454 = arith.divf %div3A_453, %add3A_451 : vector<16xf32>
          tpu.vector_store_idx %arg12[%broadcast_in_dim3A, %add3A_221], %div3A_454 : memref<64x384xf32, #tpu.memory_space<vmem>>[vector<16xi32>, vector<16xi32>], vector<16xf32>,
        }
        %scan3A_226 = arith.constant 64 : i32
        %mul3A_227 = arith.constant 8 : i32
        %mul3A_228 = arith.muli %scan3A_38, %mul3A_227 : i32
        %add3A_229 = arith.constant 4 : i32
        %add3A_230 = arith.addi %mul3A_228, %add3A_229 : i32
        %mul3A_231 = arith.constant 16 : i32
        %mul3A_232 = arith.muli %add3A_230, %mul3A_231 : i32
        %get3A_233 = arith.index_cast %mul3A_232 : i32 to index
        %get3A_234 = tpu.vector_load %arg9[%get3A_233] {strides = array<i32>} : memref<2048xi32, #tpu.memory_space<vmem>>, vector<16xi32>,
        %mul3A_235 = arith.constant 16 : i32
        %mul3A_236 = arith.muli %add3A_230, %mul3A_235 : i32
        %get3A_237 = arith.index_cast %mul3A_236 : i32 to index
        %get3A_238 = tpu.vector_load %arg10[%get3A_237] {strides = array<i32>} : memref<2048xi32, #tpu.memory_space<vmem>>, vector<16xi32>,
        %mul3A_239 = arith.constant 16 : i32
        %mul3A_240 = arith.muli %add3A_230, %mul3A_239 : i32
        %get3A_241 = arith.constant 0 : i32
        %get3A_242 = arith.index_cast %get3A_241 : i32 to index
        %get3A_243 = arith.index_cast %mul3A_240 : i32 to index
        %get3A_244 = tpu.vector_load %arg11[%get3A_242, %get3A_243] {strides = array<i32>} : memref<3x2048xf32, #tpu.memory_space<vmem>>, vector<16xf32>,
        %mul3A_245 = arith.mulf %min3A_4, %get3A_244 : vector<16xf32>
        %mul3A_246 = arith.constant 16 : i32
        %mul3A_247 = arith.muli %add3A_230, %mul3A_246 : i32
        %get3A_248 = arith.constant 1 : i32
        %get3A_249 = arith.index_cast %get3A_248 : i32 to index
        %get3A_250 = arith.index_cast %mul3A_247 : i32 to index
        %get3A_251 = tpu.vector_load %arg11[%get3A_249, %get3A_250] {strides = array<i32>} : memref<3x2048xf32, #tpu.memory_space<vmem>>, vector<16xf32>,
        %mul3A_252 = arith.mulf %min3A_4, %get3A_251 : vector<16xf32>
        %mul3A_253 = arith.constant 16 : i32
        %mul3A_254 = arith.muli %add3A_230, %mul3A_253 : i32
        %get3A_255 = arith.constant 2 : i32
        %get3A_256 = arith.index_cast %get3A_255 : i32 to index
        %get3A_257 = arith.index_cast %mul3A_254 : i32 to index
        %get3A_258 = tpu.vector_load %arg11[%get3A_256, %get3A_257] {strides = array<i32>} : memref<3x2048xf32, #tpu.memory_space<vmem>>, vector<16xf32>,
        %mul3A_259 = arith.mulf %min3A_4, %get3A_258 : vector<16xf32>
        %add3A_260 = arith.constant 192 : i32
        %add3A_261 = vector.broadcast %add3A_260 : i32 to vector<16xi32>
        %add3A_262 = arith.addi %add3A_10, %add3A_261 : vector<16xi32>
        %add3A_263 = arith.constant 192 : i32
        %add3A_264 = vector.broadcast %add3A_263 : i32 to vector<16xi32>
        %add3A_265 = arith.addi %add3A_16, %add3A_264 : vector<16xi32>
        %add3A_266 = arith.constant 192 : i32
        %add3A_267 = vector.broadcast %add3A_266 : i32 to vector<16xi32>
        %add3A_268 = arith.addi %add3A_22, %add3A_267 : vector<16xi32>
        %scan3A_269 = arith.constant 0 : i32
        %scan3A_270 = arith.constant 64 : i32
        %scan3A_271 = arith.addi %scan3A_269, %scan3A_270 : i32
        %scan3A_272 = arith.constant 1 : i32
        scf.for %scan3A_421 = %scan3A_269 to %scan3A_271 step %scan3A_272  : i32 {
          %broadcast_in_dim3A = vector.broadcast %scan3A_421 : i32 to vector<16xi32>
          %gather3A = tpu.vector_load_idx %arg8[%broadcast_in_dim3A, %get3A_234] : memref<64x512xf32, #tpu.memory_space<vmem>>[vector<16xi32>, vector<16xi32>], vector<16xf32>,
          %gather3A_422 = tpu.vector_load_idx %arg8[%broadcast_in_dim3A, %get3A_238] : memref<64x512xf32, #tpu.memory_space<vmem>>[vector<16xi32>, vector<16xi32>], vector<16xf32>,
          %sub3A = arith.subf %gather3A, %gather3A_422 : vector<16xf32>
          %mul3A_423 = arith.mulf %min3A_4, %sub3A : vector<16xf32>
          %sub3A_424 = arith.subf %mul3A_423, %mul3A_245 : vector<16xf32>
          %neg3A = arith.constant 0.000000e+00 : f32
          %neg3A_425 = vector.broadcast %neg3A : f32 to vector<16xf32>
          %neg3A_426 = arith.subf %neg3A_425, %sub3A_424 : vector<16xf32>
          %exp3A_427 = math.exp %neg3A_426 : vector<16xf32>
          %add3A_428 = arith.constant 1.000000e+00 : f32
          %add3A_429 = vector.broadcast %add3A_428 : f32 to vector<16xf32>
          %add3A_430 = arith.addf %add3A_429, %exp3A_427 : vector<16xf32>
          %div3A = arith.constant 1.000000e+00 : f32
          %div3A_431 = vector.broadcast %div3A : f32 to vector<16xf32>
          %div3A_432 = arith.divf %div3A_431, %add3A_430 : vector<16xf32>
          tpu.vector_store_idx %arg12[%broadcast_in_dim3A, %add3A_262], %div3A_432 : memref<64x384xf32, #tpu.memory_space<vmem>>[vector<16xi32>, vector<16xi32>], vector<16xf32>,
          %sub3A_433 = arith.subf %mul3A_423, %mul3A_252 : vector<16xf32>
          %neg3A_434 = arith.constant 0.000000e+00 : f32
          %neg3A_435 = vector.broadcast %neg3A_434 : f32 to vector<16xf32>
          %neg3A_436 = arith.subf %neg3A_435, %sub3A_433 : vector<16xf32>
          %exp3A_437 = math.exp %neg3A_436 : vector<16xf32>
          %add3A_438 = arith.constant 1.000000e+00 : f32
          %add3A_439 = vector.broadcast %add3A_438 : f32 to vector<16xf32>
          %add3A_440 = arith.addf %add3A_439, %exp3A_437 : vector<16xf32>
          %div3A_441 = arith.constant 1.000000e+00 : f32
          %div3A_442 = vector.broadcast %div3A_441 : f32 to vector<16xf32>
          %div3A_443 = arith.divf %div3A_442, %add3A_440 : vector<16xf32>
          tpu.vector_store_idx %arg12[%broadcast_in_dim3A, %add3A_265], %div3A_443 : memref<64x384xf32, #tpu.memory_space<vmem>>[vector<16xi32>, vector<16xi32>], vector<16xf32>,
          %sub3A_444 = arith.subf %mul3A_423, %mul3A_259 : vector<16xf32>
          %neg3A_445 = arith.constant 0.000000e+00 : f32
          %neg3A_446 = vector.broadcast %neg3A_445 : f32 to vector<16xf32>
          %neg3A_447 = arith.subf %neg3A_446, %sub3A_444 : vector<16xf32>
          %exp3A_448 = math.exp %neg3A_447 : vector<16xf32>
          %add3A_449 = arith.constant 1.000000e+00 : f32
          %add3A_450 = vector.broadcast %add3A_449 : f32 to vector<16xf32>
          %add3A_451 = arith.addf %add3A_450, %exp3A_448 : vector<16xf32>
          %div3A_452 = arith.constant 1.000000e+00 : f32
          %div3A_453 = vector.broadcast %div3A_452 : f32 to vector<16xf32>
          %div3A_454 = arith.divf %div3A_453, %add3A_451 : vector<16xf32>
          tpu.vector_store_idx %arg12[%broadcast_in_dim3A, %add3A_268], %div3A_454 : memref<64x384xf32, #tpu.memory_space<vmem>>[vector<16xi32>, vector<16xi32>], vector<16xf32>,
        }
        %scan3A_273 = arith.constant 64 : i32
        %mul3A_274 = arith.constant 8 : i32
        %mul3A_275 = arith.muli %scan3A_38, %mul3A_274 : i32
        %add3A_276 = arith.constant 5 : i32
        %add3A_277 = arith.addi %mul3A_275, %add3A_276 : i32
        %mul3A_278 = arith.constant 16 : i32
        %mul3A_279 = arith.muli %add3A_277, %mul3A_278 : i32
        %get3A_280 = arith.index_cast %mul3A_279 : i32 to index
        %get3A_281 = tpu.vector_load %arg9[%get3A_280] {strides = array<i32>} : memref<2048xi32, #tpu.memory_space<vmem>>, vector<16xi32>,
        %mul3A_282 = arith.constant 16 : i32
        %mul3A_283 = arith.muli %add3A_277, %mul3A_282 : i32
        %get3A_284 = arith.index_cast %mul3A_283 : i32 to index
        %get3A_285 = tpu.vector_load %arg10[%get3A_284] {strides = array<i32>} : memref<2048xi32, #tpu.memory_space<vmem>>, vector<16xi32>,
        %mul3A_286 = arith.constant 16 : i32
        %mul3A_287 = arith.muli %add3A_277, %mul3A_286 : i32
        %get3A_288 = arith.constant 0 : i32
        %get3A_289 = arith.index_cast %get3A_288 : i32 to index
        %get3A_290 = arith.index_cast %mul3A_287 : i32 to index
        %get3A_291 = tpu.vector_load %arg11[%get3A_289, %get3A_290] {strides = array<i32>} : memref<3x2048xf32, #tpu.memory_space<vmem>>, vector<16xf32>,
        %mul3A_292 = arith.mulf %min3A_4, %get3A_291 : vector<16xf32>
        %mul3A_293 = arith.constant 16 : i32
        %mul3A_294 = arith.muli %add3A_277, %mul3A_293 : i32
        %get3A_295 = arith.constant 1 : i32
        %get3A_296 = arith.index_cast %get3A_295 : i32 to index
        %get3A_297 = arith.index_cast %mul3A_294 : i32 to index
        %get3A_298 = tpu.vector_load %arg11[%get3A_296, %get3A_297] {strides = array<i32>} : memref<3x2048xf32, #tpu.memory_space<vmem>>, vector<16xf32>,
        %mul3A_299 = arith.mulf %min3A_4, %get3A_298 : vector<16xf32>
        %mul3A_300 = arith.constant 16 : i32
        %mul3A_301 = arith.muli %add3A_277, %mul3A_300 : i32
        %get3A_302 = arith.constant 2 : i32
        %get3A_303 = arith.index_cast %get3A_302 : i32 to index
        %get3A_304 = arith.index_cast %mul3A_301 : i32 to index
        %get3A_305 = tpu.vector_load %arg11[%get3A_303, %get3A_304] {strides = array<i32>} : memref<3x2048xf32, #tpu.memory_space<vmem>>, vector<16xf32>,
        %mul3A_306 = arith.mulf %min3A_4, %get3A_305 : vector<16xf32>
        %add3A_307 = arith.constant 240 : i32
        %add3A_308 = vector.broadcast %add3A_307 : i32 to vector<16xi32>
        %add3A_309 = arith.addi %add3A_10, %add3A_308 : vector<16xi32>
        %add3A_310 = arith.constant 240 : i32
        %add3A_311 = vector.broadcast %add3A_310 : i32 to vector<16xi32>
        %add3A_312 = arith.addi %add3A_16, %add3A_311 : vector<16xi32>
        %add3A_313 = arith.constant 240 : i32
        %add3A_314 = vector.broadcast %add3A_313 : i32 to vector<16xi32>
        %add3A_315 = arith.addi %add3A_22, %add3A_314 : vector<16xi32>
        %scan3A_316 = arith.constant 0 : i32
        %scan3A_317 = arith.constant 64 : i32
        %scan3A_318 = arith.addi %scan3A_316, %scan3A_317 : i32
        %scan3A_319 = arith.constant 1 : i32
        scf.for %scan3A_421 = %scan3A_316 to %scan3A_318 step %scan3A_319  : i32 {
          %broadcast_in_dim3A = vector.broadcast %scan3A_421 : i32 to vector<16xi32>
          %gather3A = tpu.vector_load_idx %arg8[%broadcast_in_dim3A, %get3A_281] : memref<64x512xf32, #tpu.memory_space<vmem>>[vector<16xi32>, vector<16xi32>], vector<16xf32>,
          %gather3A_422 = tpu.vector_load_idx %arg8[%broadcast_in_dim3A, %get3A_285] : memref<64x512xf32, #tpu.memory_space<vmem>>[vector<16xi32>, vector<16xi32>], vector<16xf32>,
          %sub3A = arith.subf %gather3A, %gather3A_422 : vector<16xf32>
          %mul3A_423 = arith.mulf %min3A_4, %sub3A : vector<16xf32>
          %sub3A_424 = arith.subf %mul3A_423, %mul3A_292 : vector<16xf32>
          %neg3A = arith.constant 0.000000e+00 : f32
          %neg3A_425 = vector.broadcast %neg3A : f32 to vector<16xf32>
          %neg3A_426 = arith.subf %neg3A_425, %sub3A_424 : vector<16xf32>
          %exp3A_427 = math.exp %neg3A_426 : vector<16xf32>
          %add3A_428 = arith.constant 1.000000e+00 : f32
          %add3A_429 = vector.broadcast %add3A_428 : f32 to vector<16xf32>
          %add3A_430 = arith.addf %add3A_429, %exp3A_427 : vector<16xf32>
          %div3A = arith.constant 1.000000e+00 : f32
          %div3A_431 = vector.broadcast %div3A : f32 to vector<16xf32>
          %div3A_432 = arith.divf %div3A_431, %add3A_430 : vector<16xf32>
          tpu.vector_store_idx %arg12[%broadcast_in_dim3A, %add3A_309], %div3A_432 : memref<64x384xf32, #tpu.memory_space<vmem>>[vector<16xi32>, vector<16xi32>], vector<16xf32>,
          %sub3A_433 = arith.subf %mul3A_423, %mul3A_299 : vector<16xf32>
          %neg3A_434 = arith.constant 0.000000e+00 : f32
          %neg3A_435 = vector.broadcast %neg3A_434 : f32 to vector<16xf32>
          %neg3A_436 = arith.subf %neg3A_435, %sub3A_433 : vector<16xf32>
          %exp3A_437 = math.exp %neg3A_436 : vector<16xf32>
          %add3A_438 = arith.constant 1.000000e+00 : f32
          %add3A_439 = vector.broadcast %add3A_438 : f32 to vector<16xf32>
          %add3A_440 = arith.addf %add3A_439, %exp3A_437 : vector<16xf32>
          %div3A_441 = arith.constant 1.000000e+00 : f32
          %div3A_442 = vector.broadcast %div3A_441 : f32 to vector<16xf32>
          %div3A_443 = arith.divf %div3A_442, %add3A_440 : vector<16xf32>
          tpu.vector_store_idx %arg12[%broadcast_in_dim3A, %add3A_312], %div3A_443 : memref<64x384xf32, #tpu.memory_space<vmem>>[vector<16xi32>, vector<16xi32>], vector<16xf32>,
          %sub3A_444 = arith.subf %mul3A_423, %mul3A_306 : vector<16xf32>
          %neg3A_445 = arith.constant 0.000000e+00 : f32
          %neg3A_446 = vector.broadcast %neg3A_445 : f32 to vector<16xf32>
          %neg3A_447 = arith.subf %neg3A_446, %sub3A_444 : vector<16xf32>
          %exp3A_448 = math.exp %neg3A_447 : vector<16xf32>
          %add3A_449 = arith.constant 1.000000e+00 : f32
          %add3A_450 = vector.broadcast %add3A_449 : f32 to vector<16xf32>
          %add3A_451 = arith.addf %add3A_450, %exp3A_448 : vector<16xf32>
          %div3A_452 = arith.constant 1.000000e+00 : f32
          %div3A_453 = vector.broadcast %div3A_452 : f32 to vector<16xf32>
          %div3A_454 = arith.divf %div3A_453, %add3A_451 : vector<16xf32>
          tpu.vector_store_idx %arg12[%broadcast_in_dim3A, %add3A_315], %div3A_454 : memref<64x384xf32, #tpu.memory_space<vmem>>[vector<16xi32>, vector<16xi32>], vector<16xf32>,
        }
        %scan3A_320 = arith.constant 64 : i32
        %mul3A_321 = arith.constant 8 : i32
        %mul3A_322 = arith.muli %scan3A_38, %mul3A_321 : i32
        %add3A_323 = arith.constant 6 : i32
        %add3A_324 = arith.addi %mul3A_322, %add3A_323 : i32
        %mul3A_325 = arith.constant 16 : i32
        %mul3A_326 = arith.muli %add3A_324, %mul3A_325 : i32
        %get3A_327 = arith.index_cast %mul3A_326 : i32 to index
        %get3A_328 = tpu.vector_load %arg9[%get3A_327] {strides = array<i32>} : memref<2048xi32, #tpu.memory_space<vmem>>, vector<16xi32>,
        %mul3A_329 = arith.constant 16 : i32
        %mul3A_330 = arith.muli %add3A_324, %mul3A_329 : i32
        %get3A_331 = arith.index_cast %mul3A_330 : i32 to index
        %get3A_332 = tpu.vector_load %arg10[%get3A_331] {strides = array<i32>} : memref<2048xi32, #tpu.memory_space<vmem>>, vector<16xi32>,
        %mul3A_333 = arith.constant 16 : i32
        %mul3A_334 = arith.muli %add3A_324, %mul3A_333 : i32
        %get3A_335 = arith.constant 0 : i32
        %get3A_336 = arith.index_cast %get3A_335 : i32 to index
        %get3A_337 = arith.index_cast %mul3A_334 : i32 to index
        %get3A_338 = tpu.vector_load %arg11[%get3A_336, %get3A_337] {strides = array<i32>} : memref<3x2048xf32, #tpu.memory_space<vmem>>, vector<16xf32>,
        %mul3A_339 = arith.mulf %min3A_4, %get3A_338 : vector<16xf32>
        %mul3A_340 = arith.constant 16 : i32
        %mul3A_341 = arith.muli %add3A_324, %mul3A_340 : i32
        %get3A_342 = arith.constant 1 : i32
        %get3A_343 = arith.index_cast %get3A_342 : i32 to index
        %get3A_344 = arith.index_cast %mul3A_341 : i32 to index
        %get3A_345 = tpu.vector_load %arg11[%get3A_343, %get3A_344] {strides = array<i32>} : memref<3x2048xf32, #tpu.memory_space<vmem>>, vector<16xf32>,
        %mul3A_346 = arith.mulf %min3A_4, %get3A_345 : vector<16xf32>
        %mul3A_347 = arith.constant 16 : i32
        %mul3A_348 = arith.muli %add3A_324, %mul3A_347 : i32
        %get3A_349 = arith.constant 2 : i32
        %get3A_350 = arith.index_cast %get3A_349 : i32 to index
        %get3A_351 = arith.index_cast %mul3A_348 : i32 to index
        %get3A_352 = tpu.vector_load %arg11[%get3A_350, %get3A_351] {strides = array<i32>} : memref<3x2048xf32, #tpu.memory_space<vmem>>, vector<16xf32>,
        %mul3A_353 = arith.mulf %min3A_4, %get3A_352 : vector<16xf32>
        %add3A_354 = arith.constant 288 : i32
        %add3A_355 = vector.broadcast %add3A_354 : i32 to vector<16xi32>
        %add3A_356 = arith.addi %add3A_10, %add3A_355 : vector<16xi32>
        %add3A_357 = arith.constant 288 : i32
        %add3A_358 = vector.broadcast %add3A_357 : i32 to vector<16xi32>
        %add3A_359 = arith.addi %add3A_16, %add3A_358 : vector<16xi32>
        %add3A_360 = arith.constant 288 : i32
        %add3A_361 = vector.broadcast %add3A_360 : i32 to vector<16xi32>
        %add3A_362 = arith.addi %add3A_22, %add3A_361 : vector<16xi32>
        %scan3A_363 = arith.constant 0 : i32
        %scan3A_364 = arith.constant 64 : i32
        %scan3A_365 = arith.addi %scan3A_363, %scan3A_364 : i32
        %scan3A_366 = arith.constant 1 : i32
        scf.for %scan3A_421 = %scan3A_363 to %scan3A_365 step %scan3A_366  : i32 {
          %broadcast_in_dim3A = vector.broadcast %scan3A_421 : i32 to vector<16xi32>
          %gather3A = tpu.vector_load_idx %arg8[%broadcast_in_dim3A, %get3A_328] : memref<64x512xf32, #tpu.memory_space<vmem>>[vector<16xi32>, vector<16xi32>], vector<16xf32>,
          %gather3A_422 = tpu.vector_load_idx %arg8[%broadcast_in_dim3A, %get3A_332] : memref<64x512xf32, #tpu.memory_space<vmem>>[vector<16xi32>, vector<16xi32>], vector<16xf32>,
          %sub3A = arith.subf %gather3A, %gather3A_422 : vector<16xf32>
          %mul3A_423 = arith.mulf %min3A_4, %sub3A : vector<16xf32>
          %sub3A_424 = arith.subf %mul3A_423, %mul3A_339 : vector<16xf32>
          %neg3A = arith.constant 0.000000e+00 : f32
          %neg3A_425 = vector.broadcast %neg3A : f32 to vector<16xf32>
          %neg3A_426 = arith.subf %neg3A_425, %sub3A_424 : vector<16xf32>
          %exp3A_427 = math.exp %neg3A_426 : vector<16xf32>
          %add3A_428 = arith.constant 1.000000e+00 : f32
          %add3A_429 = vector.broadcast %add3A_428 : f32 to vector<16xf32>
          %add3A_430 = arith.addf %add3A_429, %exp3A_427 : vector<16xf32>
          %div3A = arith.constant 1.000000e+00 : f32
          %div3A_431 = vector.broadcast %div3A : f32 to vector<16xf32>
          %div3A_432 = arith.divf %div3A_431, %add3A_430 : vector<16xf32>
          tpu.vector_store_idx %arg12[%broadcast_in_dim3A, %add3A_356], %div3A_432 : memref<64x384xf32, #tpu.memory_space<vmem>>[vector<16xi32>, vector<16xi32>], vector<16xf32>,
          %sub3A_433 = arith.subf %mul3A_423, %mul3A_346 : vector<16xf32>
          %neg3A_434 = arith.constant 0.000000e+00 : f32
          %neg3A_435 = vector.broadcast %neg3A_434 : f32 to vector<16xf32>
          %neg3A_436 = arith.subf %neg3A_435, %sub3A_433 : vector<16xf32>
          %exp3A_437 = math.exp %neg3A_436 : vector<16xf32>
          %add3A_438 = arith.constant 1.000000e+00 : f32
          %add3A_439 = vector.broadcast %add3A_438 : f32 to vector<16xf32>
          %add3A_440 = arith.addf %add3A_439, %exp3A_437 : vector<16xf32>
          %div3A_441 = arith.constant 1.000000e+00 : f32
          %div3A_442 = vector.broadcast %div3A_441 : f32 to vector<16xf32>
          %div3A_443 = arith.divf %div3A_442, %add3A_440 : vector<16xf32>
          tpu.vector_store_idx %arg12[%broadcast_in_dim3A, %add3A_359], %div3A_443 : memref<64x384xf32, #tpu.memory_space<vmem>>[vector<16xi32>, vector<16xi32>], vector<16xf32>,
          %sub3A_444 = arith.subf %mul3A_423, %mul3A_353 : vector<16xf32>
          %neg3A_445 = arith.constant 0.000000e+00 : f32
          %neg3A_446 = vector.broadcast %neg3A_445 : f32 to vector<16xf32>
          %neg3A_447 = arith.subf %neg3A_446, %sub3A_444 : vector<16xf32>
          %exp3A_448 = math.exp %neg3A_447 : vector<16xf32>
          %add3A_449 = arith.constant 1.000000e+00 : f32
          %add3A_450 = vector.broadcast %add3A_449 : f32 to vector<16xf32>
          %add3A_451 = arith.addf %add3A_450, %exp3A_448 : vector<16xf32>
          %div3A_452 = arith.constant 1.000000e+00 : f32
          %div3A_453 = vector.broadcast %div3A_452 : f32 to vector<16xf32>
          %div3A_454 = arith.divf %div3A_453, %add3A_451 : vector<16xf32>
          tpu.vector_store_idx %arg12[%broadcast_in_dim3A, %add3A_362], %div3A_454 : memref<64x384xf32, #tpu.memory_space<vmem>>[vector<16xi32>, vector<16xi32>], vector<16xf32>,
        }
        %scan3A_367 = arith.constant 64 : i32
        %mul3A_368 = arith.constant 8 : i32
        %mul3A_369 = arith.muli %scan3A_38, %mul3A_368 : i32
        %add3A_370 = arith.constant 7 : i32
        %add3A_371 = arith.addi %mul3A_369, %add3A_370 : i32
        %mul3A_372 = arith.constant 16 : i32
        %mul3A_373 = arith.muli %add3A_371, %mul3A_372 : i32
        %get3A_374 = arith.index_cast %mul3A_373 : i32 to index
        %get3A_375 = tpu.vector_load %arg9[%get3A_374] {strides = array<i32>} : memref<2048xi32, #tpu.memory_space<vmem>>, vector<16xi32>,
        %mul3A_376 = arith.constant 16 : i32
        %mul3A_377 = arith.muli %add3A_371, %mul3A_376 : i32
        %get3A_378 = arith.index_cast %mul3A_377 : i32 to index
        %get3A_379 = tpu.vector_load %arg10[%get3A_378] {strides = array<i32>} : memref<2048xi32, #tpu.memory_space<vmem>>, vector<16xi32>,
        %mul3A_380 = arith.constant 16 : i32
        %mul3A_381 = arith.muli %add3A_371, %mul3A_380 : i32
        %get3A_382 = arith.constant 0 : i32
        %get3A_383 = arith.index_cast %get3A_382 : i32 to index
        %get3A_384 = arith.index_cast %mul3A_381 : i32 to index
        %get3A_385 = tpu.vector_load %arg11[%get3A_383, %get3A_384] {strides = array<i32>} : memref<3x2048xf32, #tpu.memory_space<vmem>>, vector<16xf32>,
        %mul3A_386 = arith.mulf %min3A_4, %get3A_385 : vector<16xf32>
        %mul3A_387 = arith.constant 16 : i32
        %mul3A_388 = arith.muli %add3A_371, %mul3A_387 : i32
        %get3A_389 = arith.constant 1 : i32
        %get3A_390 = arith.index_cast %get3A_389 : i32 to index
        %get3A_391 = arith.index_cast %mul3A_388 : i32 to index
        %get3A_392 = tpu.vector_load %arg11[%get3A_390, %get3A_391] {strides = array<i32>} : memref<3x2048xf32, #tpu.memory_space<vmem>>, vector<16xf32>,
        %mul3A_393 = arith.mulf %min3A_4, %get3A_392 : vector<16xf32>
        %mul3A_394 = arith.constant 16 : i32
        %mul3A_395 = arith.muli %add3A_371, %mul3A_394 : i32
        %get3A_396 = arith.constant 2 : i32
        %get3A_397 = arith.index_cast %get3A_396 : i32 to index
        %get3A_398 = arith.index_cast %mul3A_395 : i32 to index
        %get3A_399 = tpu.vector_load %arg11[%get3A_397, %get3A_398] {strides = array<i32>} : memref<3x2048xf32, #tpu.memory_space<vmem>>, vector<16xf32>,
        %mul3A_400 = arith.mulf %min3A_4, %get3A_399 : vector<16xf32>
        %add3A_401 = arith.constant 336 : i32
        %add3A_402 = vector.broadcast %add3A_401 : i32 to vector<16xi32>
        %add3A_403 = arith.addi %add3A_10, %add3A_402 : vector<16xi32>
        %add3A_404 = arith.constant 336 : i32
        %add3A_405 = vector.broadcast %add3A_404 : i32 to vector<16xi32>
        %add3A_406 = arith.addi %add3A_16, %add3A_405 : vector<16xi32>
        %add3A_407 = arith.constant 336 : i32
        %add3A_408 = vector.broadcast %add3A_407 : i32 to vector<16xi32>
        %add3A_409 = arith.addi %add3A_22, %add3A_408 : vector<16xi32>
        %scan3A_410 = arith.constant 0 : i32
        %scan3A_411 = arith.constant 64 : i32
        %scan3A_412 = arith.addi %scan3A_410, %scan3A_411 : i32
        %scan3A_413 = arith.constant 1 : i32
        scf.for %scan3A_421 = %scan3A_410 to %scan3A_412 step %scan3A_413  : i32 {
          %broadcast_in_dim3A = vector.broadcast %scan3A_421 : i32 to vector<16xi32>
          %gather3A = tpu.vector_load_idx %arg8[%broadcast_in_dim3A, %get3A_375] : memref<64x512xf32, #tpu.memory_space<vmem>>[vector<16xi32>, vector<16xi32>], vector<16xf32>,
          %gather3A_422 = tpu.vector_load_idx %arg8[%broadcast_in_dim3A, %get3A_379] : memref<64x512xf32, #tpu.memory_space<vmem>>[vector<16xi32>, vector<16xi32>], vector<16xf32>,
          %sub3A = arith.subf %gather3A, %gather3A_422 : vector<16xf32>
          %mul3A_423 = arith.mulf %min3A_4, %sub3A : vector<16xf32>
          %sub3A_424 = arith.subf %mul3A_423, %mul3A_386 : vector<16xf32>
          %neg3A = arith.constant 0.000000e+00 : f32
          %neg3A_425 = vector.broadcast %neg3A : f32 to vector<16xf32>
          %neg3A_426 = arith.subf %neg3A_425, %sub3A_424 : vector<16xf32>
          %exp3A_427 = math.exp %neg3A_426 : vector<16xf32>
          %add3A_428 = arith.constant 1.000000e+00 : f32
          %add3A_429 = vector.broadcast %add3A_428 : f32 to vector<16xf32>
          %add3A_430 = arith.addf %add3A_429, %exp3A_427 : vector<16xf32>
          %div3A = arith.constant 1.000000e+00 : f32
          %div3A_431 = vector.broadcast %div3A : f32 to vector<16xf32>
          %div3A_432 = arith.divf %div3A_431, %add3A_430 : vector<16xf32>
          tpu.vector_store_idx %arg12[%broadcast_in_dim3A, %add3A_403], %div3A_432 : memref<64x384xf32, #tpu.memory_space<vmem>>[vector<16xi32>, vector<16xi32>], vector<16xf32>,
          %sub3A_433 = arith.subf %mul3A_423, %mul3A_393 : vector<16xf32>
          %neg3A_434 = arith.constant 0.000000e+00 : f32
          %neg3A_435 = vector.broadcast %neg3A_434 : f32 to vector<16xf32>
          %neg3A_436 = arith.subf %neg3A_435, %sub3A_433 : vector<16xf32>
          %exp3A_437 = math.exp %neg3A_436 : vector<16xf32>
          %add3A_438 = arith.constant 1.000000e+00 : f32
          %add3A_439 = vector.broadcast %add3A_438 : f32 to vector<16xf32>
          %add3A_440 = arith.addf %add3A_439, %exp3A_437 : vector<16xf32>
          %div3A_441 = arith.constant 1.000000e+00 : f32
          %div3A_442 = vector.broadcast %div3A_441 : f32 to vector<16xf32>
          %div3A_443 = arith.divf %div3A_442, %add3A_440 : vector<16xf32>
          tpu.vector_store_idx %arg12[%broadcast_in_dim3A, %add3A_406], %div3A_443 : memref<64x384xf32, #tpu.memory_space<vmem>>[vector<16xi32>, vector<16xi32>], vector<16xf32>,
          %sub3A_444 = arith.subf %mul3A_423, %mul3A_400 : vector<16xf32>
          %neg3A_445 = arith.constant 0.000000e+00 : f32
          %neg3A_446 = vector.broadcast %neg3A_445 : f32 to vector<16xf32>
          %neg3A_447 = arith.subf %neg3A_446, %sub3A_444 : vector<16xf32>
          %exp3A_448 = math.exp %neg3A_447 : vector<16xf32>
          %add3A_449 = arith.constant 1.000000e+00 : f32
          %add3A_450 = vector.broadcast %add3A_449 : f32 to vector<16xf32>
          %add3A_451 = arith.addf %add3A_450, %exp3A_448 : vector<16xf32>
          %div3A_452 = arith.constant 1.000000e+00 : f32
          %div3A_453 = vector.broadcast %div3A_452 : f32 to vector<16xf32>
          %div3A_454 = arith.divf %div3A_453, %add3A_451 : vector<16xf32>
          tpu.vector_store_idx %arg12[%broadcast_in_dim3A, %add3A_409], %div3A_454 : memref<64x384xf32, #tpu.memory_space<vmem>>[vector<16xi32>, vector<16xi32>], vector<16xf32>,
        }
        %scan3A_414 = arith.constant 64 : i32
        %mul3A_415 = arith.constant 8 : i32
        %mul3A_416 = arith.muli %scan3A_38, %mul3A_415 : i32
        %mul3A_417 = arith.constant 16 : i32
        %mul3A_418 = arith.muli %mul3A_416, %mul3A_417 : i32
        %mul3A_419 = arith.constant 3 : i32
        %mul3A_420 = arith.muli %mul3A_418, %mul3A_419 : i32
        "tpu.region"() ({
          %run_scoped3A = tpu.sem_alloc : memref<!tpu.dma_semaphore, #tpu.memory_space<semaphore_mem>>
          %dma_start3A = tpu.memref_slice %arg7[%add3A_32, %mul3A_420] : memref<16384x6144xf32, #tpu.memory_space<hbm>> -> memref<64x384xf32, #tpu.memory_space<hbm>>
          %dma_start3A_421 = tpu.memref_slice %arg7[%add3A_32, %mul3A_420] : memref<16384x6144xf32, #tpu.memory_space<hbm>> -> memref<64x384xf32, #tpu.memory_space<hbm>>
          tpu.enqueue_dma source(%arg12 : memref<64x384xf32, #tpu.memory_space<vmem>>) target(%dma_start3A_421 : memref<64x384xf32, #tpu.memory_space<hbm>>) target_semaphore(%run_scoped3A : memref<!tpu.dma_semaphore, #tpu.memory_space<semaphore_mem>>)
          %dma_wait3A = tpu.memref_slice %arg7[%add3A_32, %mul3A_420] : memref<16384x6144xf32, #tpu.memory_space<hbm>> -> memref<64x384xf32, #tpu.memory_space<hbm>>
          %dma_wait3A_422 = tpu.memref_slice %arg7[%add3A_32, %mul3A_420] : memref<16384x6144xf32, #tpu.memory_space<hbm>> -> memref<64x384xf32, #tpu.memory_space<hbm>>
          tpu.wait_dma2 semaphore(%run_scoped3A : memref<!tpu.dma_semaphore, #tpu.memory_space<semaphore_mem>>) src(%arg12 : memref<64x384xf32, #tpu.memory_space<vmem>>) dst(%dma_wait3A_422 : memref<64x384xf32, #tpu.memory_space<hbm>>)
          tpu.yield
        }) : () -> ()
      }
      %scan3A_37 = arith.constant 16 : i32
    }
    %scan3A_26 = arith.constant 8 : i32
    return
  }
}

</mosaic_0001>

<sc_bundles>
// kernel: kernel.3.cloned.1.call-start
scs
__scs_entry_jumppad:
0x0: {  	(pc) =	sbr.rel $0x88, $3  }
0x1: {  	(tag) =	ssettag $0x0;
	lr =	simm.s32 $0x1  }
0x2: {  	[smem:$0x3F9C] =	sst lr;
	_ =	strace $0xD0000000  }
0x3: {  	_ = 	snop  }
0x4: {  	_ = 	snop  }
0x5: {  	_ = 	snop  }
0x6: {  	_ = 	snop  }
0x7: {  	_ = 	snop  }
__scs_overlays_trampoline_lowered:
0x8: {  	[smem:$0x3FAB] =	sst s0  }
0x9: {  	[smem:$0x3FAC] =	sst s1  }
0xa: {  	[smem:$0x3FAD] =	sst s2  }
0xb: {  	[smem:$0x3FAE] =	sst s3  }
0xc: {  	[smem:$0x3FAF] =	sst s4  }
0xd: {  	[smem:$0x3FB0] =	sst s5  }
0xe: {  	[smem:$0x3FB1] =	sst s6  }
0xf: {  	[smem:$0x3FB2] =	sst s7  }
0x10: {  	[smem:$0x3FB3] =	sst s8  }
0x11: {  	[smem:$0x3FB4] =	sst s9;
	s0 =	simm.s32 @!p0 $0x0  }
0x12: {  	s1 =	sld [smem:$0x3F9A];
	s0 =	simm.s32 @p0 $0x1  }
0x13: {  	[smem:$0x3FB5] =	sst s0;
	s0 =	simm.s32 @!p1 $0x0  }
0x14: {  	s2 =	sld [smem:$0x3F99];
	s0 =	simm.s32 @p1 $0x1  }
0x15: {  	[smem:$0x3FB6] =	sst s0;
	s0 =	simm.s32 @!p2 $0x0  }
0x16: {  	s3 =	sld [smem:$0x3FDB];
	s0 =	simm.s32 @p2 $0x1  }
0x17: {  	s4 =	simm.s32 $0x1BF5;
	[smem:$0x3FB8] =	sst s0  }
0x18: {  	s0 =	sld [smem:$0x3F9B];
	_ =	swait.ge [sflag:s4], $0x0  }
0x19: {  	s7 =	sld [smem:$0x3F9C]  }
0x1a: {  	s8 =	sadd.s32 $0xFFFFE003, lr  }
0x1b: {  	s9 =	sadd.s32 $0xFFFFFEF7, lr;
	s5 =	simm.s32 $0xFFFFFFFF;
	p2 =	slt.u32 s8, $0xFFFFF086  }
0x1c: {  	p1 =	slt.u32 s9, $0xF7A;
	s5 =	simm.s32 @!p2 $0x0  }
0x1d: {  	s5 =	simm.s32 @p1 $0x1;
	p0 =	seq.s32 s7, s2  }
0x1e: {  	s7 =	smul.u32 @!p0 $0xF7A, s2;
	p2 =	seq.s32 @!p0 s5, $0x0  }
0x1f: {  	s9 =	smul.u32 $0xF7A, s1;
	s8 =	simm.s32 @!p0 $0x1BF5;
	p2 =	por !p2, p0  }
0x20: {  	[sflag:s8] =	ssyncset.s32 @!p0 $0xFFFFF086;
	s6 =	sadd.s32 @!p0 s3, s7;
	s7 =	simm.s32 @!p0 $0x108  }
0x21: {  	s3 =	sadd.s32 s3, s9;
	s6 =	sadd.s32 @!p0 $0x88, s6;
	s7 =	simm.s32 @p2 $0x1082  }
0x22: {  	[simem:s7], [sflag:s8] =	dma.local @!p0 [hbm:s6], $0xF7A  }
0x23: {  	s9 =	sor.u32 $0xD0000000, s2;
	s6 =	simm.s32 $0x108;
	_ =	swait.ge @!p0 [sflag:s8], $0x0  }
0x24: {  	s3 =	sadd.s32 $0x88, s3;
	s6 =	simm.s32 @!p1 $0x1082;
	[sflag:s4] =	ssyncset.s32 $0xFFFFF086  }
0x25: {  	[simem:s6], [sflag:s4] =	dma.local [hbm:s3], $0xF7A  }
0x26: {  	[smem:$0x3F9C] =	sst s1;
	(tag) =	ssettag s2;
	_ =	strace s9  }
0x27: {  	s1 =	sld [smem:$0x3FAC]  }
0x28: {  	s2 =	sld [smem:$0x3FAD]  }
0x29: {  	s4 =	sld [smem:$0x3FAF]  }
0x2a: {  	p0 =	seq.s32 s5, $0x0;
	s5 =	sld [smem:$0x3FB0]  }
0x2b: {  	s6 =	sld [smem:$0x3FB1]  }
0x2c: {  	s7 =	sld [smem:$0x3FB2]  }
0x2d: {  	s3 =	simm.s32 $0x108;
	s8 =	sld [smem:$0x3FB3]  }
0x2e: {  	s3 =	simm.s32 @!p0 $0x1082;
	s9 =	sld [smem:$0x3FB4]  }
0x2f: {  	lr =	sadd.s32 s0, s3;
	s0 =	sld [smem:$0x3FAB]  }
0x30: {  	s3 =	sld [smem:$0x3FAE]  }
0x31: {  	[smem:$0x3FB7] =	sst s10  }
0x32: {  	s10 =	sld [smem:$0x3FB5];
	_ =	sdelay $0x3  }
0x33: {  	p0 =	seq.s32 s10, $0x1;
	s10 =	sld [smem:$0x3FB7];
	_ =	sdelay $0x3  }
0x34: {  	[smem:$0x3FB7] =	sst s10  }
0x35: {  	s10 =	sld [smem:$0x3FB6];
	_ =	sdelay $0x3  }
0x36: {  	p1 =	seq.s32 s10, $0x1;
	s10 =	sld [smem:$0x3FB7];
	_ =	sdelay $0x3  }
0x37: {  	[smem:$0x3FB7] =	sst s10  }
0x38: {  	s10 =	sld [smem:$0x3FB8]  }
0x39: {  	_ = 	snop;
	(pc) =	sbr.ind lr, $3  }
0x3a: {  	_ = 	snop  }
0x3b: {  	_ = 	snop  }
0x3c: {  	p2 =	seq.s32 s10, $0x1;
	s10 =	sld [smem:$0x3FB7]  }
0x3d: {  	_ =	shalt  }
0x3e: {  	_ =	shalt  }
0x3f: {  	_ =	shalt  }
0x40: {  	_ =	shalt  }
0x41: {  	_ =	shalt  }
0x42: {  	_ =	shalt  }
0x43: {  	_ =	shalt  }
0x44: {  	_ =	shalt  }
0x45: {  	_ =	shalt  }
0x46: {  	_ =	shalt  }
0x47: {  	_ =	shalt  }
0x48: {  	_ =	shalt  }
0x49: {  	_ =	shalt  }
0x4a: {  	_ =	shalt  }
0x4b: {  	_ =	shalt  }
0x4c: {  	_ =	shalt  }
0x4d: {  	_ =	shalt  }
0x4e: {  	_ =	shalt  }
0x4f: {  	_ =	shalt  }
0x50: {  	_ =	shalt  }
0x51: {  	_ =	shalt  }
0x52: {  	_ =	shalt  }
0x53: {  	_ =	shalt  }
0x54: {  	_ =	shalt  }
0x55: {  	_ =	shalt  }
0x56: {  	_ =	shalt  }
0x57: {  	_ =	shalt  }
0x58: {  	_ =	shalt  }
0x59: {  	_ =	shalt  }
0x5a: {  	_ =	shalt  }
0x5b: {  	_ =	shalt  }
0x5c: {  	_ =	shalt  }
0x5d: {  	_ =	shalt  }
0x5e: {  	_ =	shalt  }
0x5f: {  	_ =	shalt  }
0x60: {  	_ =	shalt  }
0x61: {  	_ =	shalt  }
0x62: {  	_ =	shalt  }
0x63: {  	_ =	shalt  }
0x64: {  	_ =	shalt  }
0x65: {  	_ =	shalt  }
0x66: {  	_ =	shalt  }
0x67: {  	_ =	shalt  }
0x68: {  	_ =	shalt  }
0x69: {  	_ =	shalt  }
0x6a: {  	_ =	shalt  }
0x6b: {  	_ =	shalt  }
0x6c: {  	_ =	shalt  }
0x6d: {  	_ =	shalt  }
0x6e: {  	_ =	shalt  }
0x6f: {  	_ =	shalt  }
0x70: {  	_ =	shalt  }
0x71: {  	_ =	shalt  }
0x72: {  	_ =	shalt  }
0x73: {  	_ =	shalt  }
0x74: {  	_ =	shalt  }
0x75: {  	_ =	shalt  }
0x76: {  	_ =	shalt  }
0x77: {  	_ =	shalt  }
0x78: {  	_ =	shalt  }
0x79: {  	_ =	shalt  }
0x7a: {  	_ =	shalt  }
0x7b: {  	_ =	shalt  }
0x7c: {  	_ =	shalt  }
0x7d: {  	_ =	shalt  }
0x7e: {  	_ =	shalt  }
0x7f: {  	_ =	shalt  }
0x80: {  	_ =	shalt  }
0x81: {  	_ =	shalt  }
0x82: {  	_ =	shalt  }
0x83: {  	_ =	shalt  }
0x84: {  	_ =	shalt  }
0x85: {  	_ =	shalt  }
0x86: {  	_ =	shalt  }
0x87: {  	_ =	shalt  }
.Lfunc_end0:
.L_simem_size_0:
called_computation_lowered:
.L_overlay_start_0:
0x88: {  	s2 =	sld [smem:$0x3FD9]  }
0x89: {  	s3 =	sld [smem:$0x3FFE];
	_ =	sdelay $0x1  }
0x8a: {  	s1 =	srdreg.scid  }
0x8b: {  	s0 =	sand.u32 $0x1, s1  }
0x8c: {  	s17 =	sshll.u32 s0, $0xA;
	s2 =	sadd.s32 s3, s2  }
0x8d: {  	s2 =	sadd.s32 s2, s17  }
0x8e: {  	[smem:$0x3FC3] =	sst s2  }
0x8f: {  	_ = 	snop  }
0x90: {  	s2 =	sld [smem:$0x3FC9]  }
0x91: {  	s18 =	sld [smem:$0x3FC8]  }
0x92: {  	s4 =	sld [smem:$0x3FC6]  }
0x93: {  	s5 =	sld [smem:$0x3FC5]  }
0x94: {  	s6 =	sld [smem:$0x3FD0];
	(tm) =	ssettm $0x1  }
0x95: {  	s7 =	sld [smem:$0x3FFB];
	_ =	sdelay $0x3  }
0x96: {  	_ =	strace s7  }
0x97: {  	s7 =	sld [smem:$0x3FFC];
	_ =	sdelay $0x3  }
0x98: {  	_ =	strace s7  }
0x99: {  	s7 =	sld [smem:$0x3FFD];
	_ =	sdelay $0x3  }
0x9a: {  	_ =	strace s7  }
0x9b: {  	_ =	strace $0x8FFFFFFF  }
0x9c: {  	s19 =	sld [smem:$0x3FDB];
	_ =	sdelay $0x1  }
0x9d: {  	s8 =	simm.s32 $_scs_section_size  }
0x9e: {  	s9 =	simm.s32 $_size__tile_overlayer_lowered;
	s10 =	simm.s32 $_tile_overlayer_lowered  }
0x9f: {  	s22 =	simm.s32 $0x1BFF;
	s21 =	sshll.u32 s10, $0x1;
	s7 =	sadd.s32 s8, s19  }
0xa0: {  	s11 =	simm.s32 $0x0;
	s20 =	sshll.u32 s9, $0x1;
	s9 =	sadd.s32 s21, s7  }
0xa1: {  	[timem:s11], [sflag:s22] =	dma.local [hbm:s9], s20  }
0xa2: {  	_ =	swait.ge [sflag:s22], s20  }
0xa3: {  	s8 =	ssub.s32 $0x0, s20;
	[sflag:s22] =	ssyncset.done $0x0  }
0xa4: {  	[sflag:s22] =	ssyncadd.s32 s8;
	_ =	sdelay $0x1  }
0xa5: {  	s23 =	simm.s32 $0x1B8B  }
0xa6: {  	_ =	swait.ge [sflag:s23], $0x1  }
0xa7: {  	[sflag:s23] =	ssyncset.done $0x0  }
0xa8: {  	s25 =	simm.s32 $0x1B8E;
	s24 =	sld [smem:$0x3FFE];
	[sflag:s23] =	ssyncadd.s32 $0xFFFFFFFF  }
0xa9: {  	s26 =	simm.s32 $execute0_lowered;
	[smem:$0x3FD2] =	sst s25  }
0xaa: {  	s9 =	sshll.u32 s26, $0x1;
	_ =	strace $0x80000046;
	[dreg:$0x1] =	wrdreg $0xFFFFFFFF  }
0xab: {  	s28 =	simm.s32 $_size_execute0_lowered;
	s7 =	sadd.s32 s7, s9;
	[dreg:$0x0] =	wrdreg $0x0  }
0xac: {  	s9 =	sshll.u32 s28, $0x1;
	[dreg:$0x2] =	wrdreg s7  }
0xad: {  	[dreg:$0x3] =	wrdreg s9  }
0xae: {  	[dreg:$0x4] =	wrdreg $0xC0  }
0xaf: {  	_ =	task [dreg:s11], $0x5FFFF  }
0xb0: {  	[dreg:$0x1] =	wrdreg $0xFFFFFFFF  }
0xb1: {  	[dreg:$0x0] =	wrdreg $0x60  }
0xb2: {  	[dreg:$0x2] =	wrdreg s2  }
0xb3: {  	[dreg:$0x3] =	wrdreg s18  }
0xb4: {  	[dreg:$0x4] =	wrdreg s24  }
0xb5: {  	[dreg:$0x5] =	wrdreg s4  }
0xb6: {  	[dreg:$0x6] =	wrdreg s5  }
0xb7: {  	[dreg:$0x7] =	wrdreg s6  }
0xb8: {  	[dreg:$0x8] =	wrdreg $0x9  }
0xb9: {  	_ =	task.clear_ibuf [dreg:s11], $0x9FFFF;
	_ =	strace $0x90000046  }
0xba: {  	s29 =	simm.s32 $0x9;
	_ =	strace $0x80000048  }
0xbb: {  	_ =	swait.ge [sflag:s29], $0x1  }
0xbc: {  	[sflag:s29] =	ssyncadd.s32 $0xFFFFFFFF  }
0xbd: {  	_ =	strace $0x90000048  }
0xbe: {  	_ =	sfence  }
0xbf: {  	s30 =	sld [smem:$0x0];
	_ =	sdelay $0x2  }
0xc0: {  	s31 =	sshll.u32 s1, $0xD;
	s1 =	sshrl.u32 s1, $0x2  }
0xc1: {  	s3 =	sand.u32 $0x4000, s31;
	s1 =	sadd.s32 s1, s30  }
0xc2: {  	s0 =	sor.u32 s3, s0;
	s1 =	sshll.u32 s1, $0x11  }
0xc3: {  	s0 =	sor.u32 s1, s0  }
0xc4: {  	s0 =	sadd.s32 $0x8F2B, s0  }
0xc5: {  	[sflag:s0] =	ssyncadd.remote.s32 $0x1  }
0xc6: {  	_ =	sfence.sel $0xFFFF  }
0xc7: {  	[dreg:$0x0] =	wrdreg $0xFFFFFFFF;
	(pc) =	sbr.abs _section_cstart, $3  }
0xc8: {  	[dreg:$0x1] =	wrdreg $0xFFFFFFFF  }
0xc9: {  	_ =	task.clear_ibuf [dreg:s11], $0x2FFFF;
	_ =	strace $0x9FFFFFFF  }
0xca: {  	(tm) =	ssettm $0x7FFFFFFF  }
0xcb: {  	_ =	shalt  }
tec
execute0_lowered:
.L_overlay_start_1:
0x0: {  	(tag) =	ssettag $0x1  }
0x1: {  	v0 =	vlaneseq.u32;
	vm0 =	vcmask $0x2B00;
	v9 =	vimm.s32 $0x400  }
0x2: {  	v7 =	vimm.s32 $0x17E7B78;
	v8 =	vimm.s32 $0xD0A0704;
	vm13 =	vcmask $0x1F10  }
0x3: {  	v10 =	vimm.s32 $0x69666360;
	v11 =	vimm.s32 $0x75726F6C;
	v12 =	vimm.s32 $0x27F7C79  }
0x4: {  	v13 =	vimm.s32 $0xE0B0805;
	v14 =	vimm.s32 $0x6A676461;
	v15 =	vimm.s32 $0x7673706D  }
0x5: {  	vm1 =	vcmask $0x2700;
	v18 =	vimm.s32 $0x1E1B1815;
	v22 =	vimm.s32 $0x7B787572  }
0x6: {  	v23 =	vimm.s32 $0x704017E;
	vm14 =	vcmask $0x1700;
	vm15 =	vcmask $0x1300  }
0x7: {  	v0 =	vmul.u32 $0x3, v0;
	v6 =	vsel vm0, $0x0, v9;
	v7 =	vunpack.c.0.s8.s32 v7  }
0x8: {  	v8 =	vunpack.c.0.s8.s32 v8;
	v10 =	vunpack.c.0.s8.s32 v10;
	v11 =	vunpack.c.0.s8.s32 v11  }
0x9: {  	v12 =	vunpack.c.0.s8.s32 v12;
	v13 =	vunpack.c.0.s8.s32 v13;
	v14 =	vunpack.c.0.s8.s32 v14  }
0xa: {  	v15 =	vunpack.c.0.s8.s32 v15;
	v9 =	vsel vm1, $0x0, v9;
	v18 =	vunpack.c.0.s8.s32 v18  }
0xb: {  	v22 =	vunpack.c.0.s8.s32 v22;
	v23 =	vunpack.c.0.s8.s32 v23;
	v1 =	vadd.s32 $0x1, v0  }
0xc: {  	v2 =	vadd.s32 $0x2, v0;
	v3 =	vadd.s32 $0x30, v0;
	v4 =	vadd.s32 $0x31, v0  }
0xd: {  	v5 =	vadd.s32 $0x32, v0;
	v7 =	vsel vm13, v8, v7;
	v8 =	vsel vm13, v11, v10  }
0xe: {  	v10 =	vimm.s32 $0x3007D7A;
	v11 =	vsel vm13, v13, v12;
	v12 =	vsel vm13, v15, v14  }
0xf: {  	v13 =	vimm.s32 $0xF0C0906;
	v14 =	vimm.s32 $0x6B686562;
	v15 =	vimm.s32 $0x7774716E  }
0x10: {  	v22 =	vsel vm13, v23, v22;
	v23 =	vimm.s32 $0x800;
	v10 =	vunpack.c.0.s8.s32 v10  }
0x11: {  	v13 =	vunpack.c.0.s8.s32 v13;
	v14 =	vunpack.c.0.s8.s32 v14;
	v15 =	vunpack.c.0.s8.s32 v15  }
0x12: {  	s0 =	rddreg [dreg:$0x0];
	v7 =	vcombine.low v8, v7;
	v8 =	vcombine.low v12, v11;
	v12 =	vadd.s32 $0x11, v0  }
0x13: {  	s1 =	rddreg [dreg:$0x1];
	v10 =	vsel vm13, v13, v10;
	v11 =	vsel vm13, v15, v14;
	v13 =	vimm.s32 $0x110E0B08  }
0x14: {  	s8 =	rddreg [dreg:$0x2];
	v14 =	vimm.s32 $0x1D1A1714;
	v15 =	vimm.s32 $0x79767370;
	v16 =	vunpack.c.0.s8.s32 v13  }
0x15: {  	s2 =	rddreg [dreg:$0x3];
	v17 =	vunpack.c.0.s8.s32 v14;
	v13 =	vimm.s32 $0x5027F7C;
	v14 =	vimm.s32 $0x120F0C09  }
0x16: {  	s3 =	rddreg [dreg:$0x4];
	v15 =	vunpack.c.0.s8.s32 v15;
	v19 =	vunpack.c.0.s8.s32 v13;
	v20 =	vunpack.c.0.s8.s32 v14  }
0x17: {  	s5 =	rddreg [dreg:$0x5];
	v10 =	vcombine.low v11, v10;
	v21 =	vsel vm13, v17, v16;
	v16 =	vimm.s32 $0x603007D  }
0x18: {  	s7 =	srdreg.scid;
	s4 =	rddreg [dreg:$0x6];
	s6 =	simm.s32 $0x0;
	v17 =	vimm.s32 $0x13100D0A;
	v19 =	vsel vm13, v19, v15;
	v20 =	vsel vm13, v18, v20  }
0x19: {  	s12 =	simm.s32 $0x1;
	s13 =	simm.s32 $0x8800;
	s14 =	simm.s32 $0x9000;
	v15 =	vimm.s32 $0x7A777471;
	v16 =	vunpack.c.0.s8.s32 v16;
	v18 =	vimm.s32 $0x1F1C1916  }
0x1a: {  	s15 =	simm.s32 $0x11000;
	s16 =	simm.s32 $0xB000;
	s17 =	simm.s32 $0xC00;
	v17 =	vunpack.c.0.s8.s32 v17;
	v15 =	vunpack.c.0.s8.s32 v15;
	v18 =	vunpack.c.0.s8.s32 v18  }
0x1b: {  	s18 =	simm.s32 $0xC000;
	s19 =	simm.s32 $0x0;
	s9 =	sand.u32 $0x1, s7;
	v11 =	vadd.s32 $0x10, v0;
	v13 =	vadd.s32 $0x12, v0;
	v14 =	vor.u32 $0x40, v0  }
0x1c: {  	[smem:$0x7FF] =	sst s6;
	s7 =	stileid.u32;
	s10 =	ssub.s32 $0x2, s9;
	v24 =	vsel vm13, v16, v15;
	v15 =	vadd.s32 $0x41, v0;
	v25 =	vsel vm13, v18, v17  }
0x1d: {  	s8 =	sadd.s32 $0x400, s8;
	_ =	strace $0x80000047;
	s11 =	sshrl.u32 s10, $0x1;
	v16 =	vadd.s32 $0x42, v0;
	v17 =	vsel vm14, $0x400, v23;
	v18 =	vcombine.low v19, v21  }
0x1e: {  	s31 =	sshll.u32 s7, $0xA;
	s9 =	sshll.u32 s9, $0x9;
	s10 =	ssub.s32 s10, s11;
	v19 =	vsel vm15, $0x400, v23;
	v23 =	vadd.s32 $0x21, v0;
	v20 =	vcombine.low v24, v20  }
0x1f: {  	s9 =	sor.u32 s9, s31;
	s11 =	simm.s32 $0x8000;
	s10 =	smax.u32 s10, $0x1;
	v21 =	vcombine.low v22, v25;
	v22 =	vadd.s32 $0x20, v0;
	v24 =	vadd.s32 $0x22, v0  }
.LBB2_1:
0x20: {  	[tilespmem:s11], [sflag:$0x1] =	stream.linear.gather [hbm4b:s2+s6], $0x800, $0x38;
	[tilespmem:$0x11080] =	vst v63  }
0x21: {  	_ =	swait.ge [sflag:s12], $0x800  }
0x22: {  	[sflag:s12] =	ssyncset.done $0x0  }
0x23: {  	[sflag:s12] =	ssyncadd.s32 $0xFFFFF800  }
0x24: {  	[tilespmem:s13], [sflag:$0x1] =	stream.linear.gather [hbm4b:s3+s6], $0x800, $0x38;
	[tilespmem:$0x11080] =	vst v63  }
0x25: {  	_ =	swait.ge [sflag:s12], $0x800  }
0x26: {  	[sflag:s12] =	ssyncset.done $0x0  }
0x27: {  	[sflag:s12] =	ssyncadd.s32 $0xFFFFF800  }
0x28: {  	[tilespmem:s14], [sflag:$0x1] =	stream.linear.gather [hbm4b:s1+s6], $0x2000, $0x38;
	[tilespmem:$0x11080] =	vst v63  }
0x29: {  	_ =	swait.ge [sflag:s12], $0x2000  }
0x2a: {  	[sflag:s12] =	ssyncset.done $0x0  }
0x2b: {  	[sflag:s12] =	ssyncadd.s32 $0xFFFFE000  }
0x2c: {  	[tilespmem:s15], [sflag:$0x1] =	stream.linear.gather [hbm4b:s8+s6], $0x80, $0x38;
	[tilespmem:$0x11080] =	vst v63  }
0x2d: {  	_ =	swait.ge [sflag:s12], $0x80  }
0x2e: {  	[sflag:s12] =	ssyncset.done $0x0  }
0x2f: {  	[sflag:s12] =	ssyncadd.s32 $0xFFFFFF80  }
0x30: {  	v25 =	vld [tilespmem:$0x11000];
	_ =	sdelay $0x4  }
0x31: {  	v25 =	vmul.f32 $1.442695020e+00, v25;
	_ =	sdelay $0x1  }
0x32: {  	(erf) = vpow2.f32 v25;
	_ =	sdelay $0x8  }
0x33: {  	v25 =	vpop (erf)  }
0x34: {  	v25 =	vmax.f32 v25, $5.000000000e-01  }
0x35: {  	s20 =	simm.s32 $0x0;
	v25 =	vmin.f32 v25, $5.000000000e+01  }
.LBB2_2:
0x36: {  	s21 =	sshll.u32 s20, $0x6  }
0x37: {  	s22 =	sadd.s32 s9, s21  }
0x38: {  	s21 =	sshll.u32 s22, $0x6  }
0x39: {  	s23 =	sadd.s32 s0, s21;
	s21 =	simm.s32 $0x0  }
0x3a: {  	[tilespmem:s21], [sflag:$0x1] =	stream.linear.gather [hbm4b:s23+s21], $0x8000, $0x38;
	[tilespmem:$0x11080] =	vst v63  }
0x3b: {  	_ =	swait.ge [sflag:s12], $0x8000  }
0x3c: {  	s22 =	sshrl.u32 s22, $0x3;
	[sflag:s12] =	ssyncset.done $0x0  }
0x3d: {  	s22 =	smul.u32 $0xC000, s22;
	s23 =	simm.s32 $0x0;
	[sflag:s12] =	ssyncadd.s32 $0xFFFF8000  }
.LBB2_3:
0x3e: {  	s24 =	sshll.u32 s23, $0x7  }
0x3f: {  	v26 =	vld [tilespmem:s24+$0x8000];
	_ =	sdelay $0x2  }
0x40: {  	v27 =	vld [tilespmem:s24+$0x8800];
	_ =	sdelay $0x1  }
0x41: {  	v28 =	vshll.u32 v26, $0x3  }
0x42: {  	v26 =	vand.u32 $0x7F, v26;
	v28 =	vand.u32 $0xFFFFFC00, v28  }
0x43: {  	v26 =	vor.u32 v26, v28;
	v28 =	vmov s21  }
0x44: {  	v29 =	vand.u32 $0x7F, v27;
	v27 =	vshll.u32 v27, $0x3;
	v31 =	vshrl.u32 v28, $0x3  }
0x45: {  	v27 =	vand.u32 $0xFFFFFC00, v27;
	v28 =	vshll.u32 v28, $0x7;
	v30 =	vshll.u32 v31, $0xC  }
0x46: {  	v27 =	vor.u32 v29, v27;
	v32 =	vand.u32 $0x380, v28;
	v28 =	vadd.s32 v26, v30  }
0x47: {  	v29 =	vadd.s32 v27, v30;
	v28 =	vor.u32 v32, v28  }
0x48: {  	v29 =	vor.u32 v32, v29;
	_ =	sdelay $0x3  }
0x49: {  	v28 =	vld.idx.msk [tilespmem:v28+s6+$0x0], $0xffff  }
0x4a: {  	s25 =	sshll.u32 s23, $0x9;
	v29 =	vld.idx.msk [tilespmem:v29+s6+$0x0], $0xffff  }
0x4b: {  	s25 =	sand.u32 $0x3FFFFE00, s25  }
0x4c: {  	v30 =	vld [tilespmem:s25+$0x9000]  }
0x4d: {  	v33 =	vld [tilespmem:s25+$0x9080]  }
0x4e: {  	v34 =	vld [tilespmem:s25+$0x9100]  }
0x4f: {  	v29 =	vsub.f32 v28, v29;
	_ =	sdelay $0x1  }
0x50: {  	v28 =	vmul.f32 v30, v25;
	v35 =	vmul.f32 v29, v25  }
0x51: {  	v30 =	vmul.f32 v33, v25  }
0x52: {  	v29 =	vmul.f32 v34, v25;
	v60 =	vsub.f32 v28, v35  }
0x53: {  	v61 =	vsub.f32 v30, v35  }
0x54: {  	v35 =	vsub.f32 v29, v35;
	v33 =	vadd.f32 $0.0e+00, v60  }
0x55: {  	v34 =	vadd.f32 $0.0e+00, v61  }
0x56: {  	v35 =	vadd.f32 $0.0e+00, v35;
	v33 =	vmul.f32 $1.442695020e+00, v33  }
0x57: {  	v34 =	vmul.f32 $1.442695020e+00, v34  }
0x58: {  	v35 =	vmul.f32 $1.442695020e+00, v35;
	(erf) = vpow2.f32 v33  }
0x59: {  	(erf) = vpow2.f32 v34  }
0x5a: {  	(erf) = vpow2.f32 v35;
	_ =	sdelay $0x6  }
0x5b: {  	v33 =	vpop (erf)  }
0x5c: {  	v33 =	vadd.f32 $1.000000000e+00, v33;
	v34 =	vpop (erf)  }
0x5d: {  	v34 =	vadd.f32 $1.000000000e+00, v34;
	v35 =	vpop (erf)  }
0x5e: {  	v35 =	vadd.f32 $1.000000000e+00, v35;
	(erf) = vrcp.f32 v33  }
0x5f: {  	(erf) = vrcp.f32 v34  }
0x60: {  	v31 =	vmul.u32 $0xC00, v31;
	(erf) = vrcp.f32 v35  }
0x61: {  	s26 =	simm.s32 $0x1  }
0x62: {  	v62 =	vmov s26;
	v38 =	vor.u32 v32, v31  }
0x63: {  	v31 =	vshrl.u32 v62, $0x3;
	v33 =	vor.u32 v0, v38  }
0x64: {  	v63 =	vshll.u32 v62, $0x7;
	v36 =	vshll.u32 v31, $0xC;
	v34 =	vor.u32 v1, v38  }
0x65: {  	s26 =	simm.s32 $0x2;
	v32 =	vand.u32 $0x380, v63;
	v37 =	vadd.s32 v26, v36;
	v35 =	vor.u32 v2, v38  }
.LBB2_4:
0x66: {  	p0 =	sne.s32 s26, $0x3F;
	v37 =	vor.u32 v32, v37;
	v36 =	vadd.s32 v27, v36  }
0x67: {  	v36 =	vor.u32 v32, v36;
	v38 =	vpop (erf)  }
0x68: {  	[tilespmem:v33+s16+$0x0] =	vst.idx.msk $0xffff, v38;
	v33 =	vpop (erf)  }
0x69: {  	[tilespmem:v34+s16+$0x0] =	vst.idx.msk $0xffff, v33;
	v33 =	vpop (erf)  }
0x6a: {  	[tilespmem:v35+s16+$0x0] =	vst.idx.msk $0xffff, v33  }
0x6b: {  	v33 =	vld.idx.msk [tilespmem:v37+s6+$0x0], $0xffff  }
0x6c: {  	v34 =	vld.idx.msk [tilespmem:v36+s6+$0x0], $0xffff;
	_ =	sdelay $0x5  }
0x6d: {  	v33 =	vsub.f32 v33, v34;
	_ =	sdelay $0x1  }
0x6e: {  	v33 =	vmul.f32 v33, v25;
	_ =	sdelay $0x1  }
0x6f: {  	v34 =	vsub.f32 v28, v33  }
0x70: {  	v35 =	vsub.f32 v30, v33  }
0x71: {  	v33 =	vsub.f32 v29, v33;
	v34 =	vadd.f32 $0.0e+00, v34  }
0x72: {  	v35 =	vadd.f32 $0.0e+00, v35  }
0x73: {  	v33 =	vadd.f32 $0.0e+00, v33;
	v34 =	vmul.f32 $1.442695020e+00, v34  }
0x74: {  	v35 =	vmul.f32 $1.442695020e+00, v35  }
0x75: {  	v33 =	vmul.f32 $1.442695020e+00, v33;
	(erf) = vpow2.f32 v34  }
0x76: {  	(erf) = vpow2.f32 v35  }
0x77: {  	(erf) = vpow2.f32 v33;
	_ =	sdelay $0x6  }
0x78: {  	v33 =	vpop (erf)  }
0x79: {  	v33 =	vadd.f32 $1.000000000e+00, v33;
	v34 =	vpop (erf)  }
0x7a: {  	v34 =	vadd.f32 $1.000000000e+00, v34;
	v35 =	vpop (erf)  }
0x7b: {  	v35 =	vadd.f32 $1.000000000e+00, v35;
	(erf) = vrcp.f32 v33  }
0x7c: {  	(erf) = vrcp.f32 v34  }
0x7d: {  	v31 =	vmul.u32 $0xC00, v31;
	(erf) = vrcp.f32 v35  }
.Ltmp0:
0x7e: {  	(pc) =	sbr.rel @p0 .LBB2_4-.Ltmp0, $4  }
0x7f: {  	v34 =	vmov s26;
	v35 =	vor.u32 v32, v31  }
0x80: {  	v31 =	vshrl.u32 v34, $0x3;
	v33 =	vor.u32 v0, v35  }
0x81: {  	v32 =	vshll.u32 v34, $0x7;
	v36 =	vshll.u32 v31, $0xC;
	v34 =	vor.u32 v1, v35  }
0x82: {  	s26 =	sadd.s32 $0x1, s26;
	v32 =	vand.u32 $0x380, v32;
	v35 =	vor.u32 v2, v35;
	v37 =	vadd.s32 v26, v36  }
0x83: {  	_ =	sdelay $0x1  }
0x84: {  	v26 =	vor.u32 v32, v37;
	v27 =	vadd.s32 v27, v36  }
0x85: {  	v27 =	vor.u32 v32, v27;
	v55 =	vpop (erf)  }
0x86: {  	[tilespmem:v33+s16+$0x0] =	vst.idx.msk $0xffff, v55;
	v56 =	vpop (erf)  }
0x87: {  	[tilespmem:v34+s16+$0x0] =	vst.idx.msk $0xffff, v56;
	v57 =	vpop (erf)  }
0x88: {  	[tilespmem:v35+s16+$0x0] =	vst.idx.msk $0xffff, v57  }
0x89: {  	v26 =	vld.idx.msk [tilespmem:v26+s6+$0x0], $0xffff  }
0x8a: {  	v27 =	vld.idx.msk [tilespmem:v27+s6+$0x0], $0xffff;
	_ =	sdelay $0x4  }
0x8b: {  	v26 =	vsub.f32 v26, v27;
	_ =	sdelay $0x1  }
0x8c: {  	v26 =	vmul.f32 v26, v25;
	_ =	sdelay $0x1  }
0x8d: {  	v27 =	vsub.f32 v28, v26  }
0x8e: {  	v28 =	vsub.f32 v30, v26  }
0x8f: {  	v26 =	vsub.f32 v29, v26;
	v27 =	vadd.f32 $0.0e+00, v27  }
0x90: {  	v28 =	vadd.f32 $0.0e+00, v28  }
0x91: {  	v26 =	vadd.f32 $0.0e+00, v26;
	v27 =	vmul.f32 $1.442695020e+00, v27  }
0x92: {  	v28 =	vmul.f32 $1.442695020e+00, v28  }
0x93: {  	v26 =	vmul.f32 $1.442695020e+00, v26;
	(erf) = vpow2.f32 v27  }
0x94: {  	(erf) = vpow2.f32 v28  }
0x95: {  	(erf) = vpow2.f32 v26;
	_ =	sdelay $0x6  }
0x96: {  	v26 =	vpop (erf)  }
0x97: {  	v26 =	vadd.f32 $1.000000000e+00, v26;
	v27 =	vpop (erf)  }
0x98: {  	v27 =	vadd.f32 $1.000000000e+00, v27;
	v28 =	vpop (erf)  }
0x99: {  	v28 =	vadd.f32 $1.000000000e+00, v28;
	(erf) = vrcp.f32 v26  }
0x9a: {  	(erf) = vrcp.f32 v27  }
0x9b: {  	v26 =	vmul.u32 $0xC00, v31;
	(erf) = vrcp.f32 v28;
	_ =	sdelay $0x1  }
0x9c: {  	v26 =	vor.u32 v32, v26  }
0x9d: {  	v27 =	vor.u32 v0, v26  }
0x9e: {  	v28 =	vor.u32 v1, v26  }
0x9f: {  	v26 =	vor.u32 v2, v26;
	_ =	sdelay $0x1  }
0xa0: {  	v29 =	vpop (erf)  }
0xa1: {  	[tilespmem:v27+s16+$0x0] =	vst.idx.msk $0xffff, v29;
	v27 =	vpop (erf)  }
0xa2: {  	[tilespmem:v28+s16+$0x0] =	vst.idx.msk $0xffff, v27;
	v27 =	vpop (erf)  }
0xa3: {  	[tilespmem:v26+s16+$0x0] =	vst.idx.msk $0xffff, v27  }
0xa4: {  	v26 =	vld [tilespmem:s24+$0x8010];
	_ =	sdelay $0x2  }
0xa5: {  	v27 =	vld [tilespmem:s24+$0x8810];
	_ =	sdelay $0x1  }
0xa6: {  	v28 =	vshll.u32 v26, $0x3  }
0xa7: {  	s26 =	simm.s32 $0x0;
	v26 =	vand.u32 $0x7F, v26;
	v28 =	vand.u32 $0xFFFFFC00, v28  }
0xa8: {  	v26 =	vor.u32 v26, v28;
	v28 =	vmov s26  }
0xa9: {  	v29 =	vand.u32 $0x7F, v27;
	v27 =	vshll.u32 v27, $0x3;
	v31 =	vshrl.u32 v28, $0x3  }
0xaa: {  	v27 =	vand.u32 $0xFFFFFC00, v27;
	v28 =	vshll.u32 v28, $0x7;
	v30 =	vshll.u32 v31, $0xC  }
0xab: {  	v29 =	vor.u32 v29, v27;
	v58 =	vand.u32 $0x380, v28;
	v27 =	vadd.s32 v26, v30  }
0xac: {  	v28 =	vadd.s32 v29, v30;
	v27 =	vor.u32 v58, v27  }
0xad: {  	v28 =	vor.u32 v58, v28;
	_ =	sdelay $0x3  }
0xae: {  	v27 =	vld.idx.msk [tilespmem:v27+s6+$0x0], $0xffff  }
0xaf: {  	v28 =	vld.idx.msk [tilespmem:v28+s6+$0x0], $0xffff;
	_ =	sdelay $0x1  }
0xb0: {  	v30 =	vld [tilespmem:s25+$0x9010]  }
0xb1: {  	v33 =	vld [tilespmem:s25+$0x9090]  }
0xb2: {  	v34 =	vld [tilespmem:s25+$0x9110]  }
0xb3: {  	v28 =	vsub.f32 v27, v28;
	_ =	sdelay $0x1  }
0xb4: {  	v27 =	vmul.f32 v30, v25;
	v59 =	vmul.f32 v28, v25  }
0xb5: {  	v30 =	vmul.f32 v33, v25  }
0xb6: {  	v28 =	vmul.f32 v34, v25;
	v60 =	vsub.f32 v27, v59  }
0xb7: {  	v61 =	vsub.f32 v30, v59  }
0xb8: {  	v35 =	vsub.f32 v28, v59;
	v33 =	vadd.f32 $0.0e+00, v60  }
0xb9: {  	v34 =	vadd.f32 $0.0e+00, v61  }
0xba: {  	v35 =	vadd.f32 $0.0e+00, v35;
	v33 =	vmul.f32 $1.442695020e+00, v33  }
0xbb: {  	v34 =	vmul.f32 $1.442695020e+00, v34  }
0xbc: {  	v35 =	vmul.f32 $1.442695020e+00, v35;
	(erf) = vpow2.f32 v33  }
0xbd: {  	(erf) = vpow2.f32 v34  }
0xbe: {  	(erf) = vpow2.f32 v35;
	_ =	sdelay $0x6  }
0xbf: {  	v33 =	vpop (erf)  }
0xc0: {  	v33 =	vadd.f32 $1.000000000e+00, v33;
	v34 =	vpop (erf)  }
0xc1: {  	v34 =	vadd.f32 $1.000000000e+00, v34;
	v35 =	vpop (erf)  }
0xc2: {  	v35 =	vadd.f32 $1.000000000e+00, v35;
	(erf) = vrcp.f32 v33  }
0xc3: {  	(erf) = vrcp.f32 v34  }
0xc4: {  	v31 =	vmul.u32 $0xC00, v31;
	(erf) = vrcp.f32 v35  }
0xc5: {  	s31 =	simm.s32 $0x1  }
0xc6: {  	v62 =	vmov s31;
	v38 =	vor.u32 v58, v31  }
0xc7: {  	v31 =	vshrl.u32 v62, $0x3;
	v33 =	vor.u32 v3, v38  }
0xc8: {  	v63 =	vshll.u32 v62, $0x7;
	v36 =	vshll.u32 v31, $0xC;
	v34 =	vor.u32 v4, v38  }
0xc9: {  	v32 =	vand.u32 $0x380, v63;
	s26 =	simm.s32 $0x2;
	v37 =	vadd.s32 v26, v36;
	v35 =	vor.u32 v5, v38  }
.LBB2_6:
0xca: {  	p0 =	sne.s32 s26, $0x3F;
	v37 =	vor.u32 v32, v37;
	v36 =	vadd.s32 v29, v36  }
0xcb: {  	v36 =	vor.u32 v32, v36;
	v38 =	vpop (erf)  }
0xcc: {  	[tilespmem:v33+s16+$0x0] =	vst.idx.msk $0xffff, v38;
	v33 =	vpop (erf)  }
0xcd: {  	[tilespmem:v34+s16+$0x0] =	vst.idx.msk $0xffff, v33;
	v33 =	vpop (erf)  }
0xce: {  	[tilespmem:v35+s16+$0x0] =	vst.idx.msk $0xffff, v33  }
0xcf: {  	v33 =	vld.idx.msk [tilespmem:v37+s6+$0x0], $0xffff  }
0xd0: {  	v34 =	vld.idx.msk [tilespmem:v36+s6+$0x0], $0xffff;
	_ =	sdelay $0x5  }
0xd1: {  	v33 =	vsub.f32 v33, v34;
	_ =	sdelay $0x1  }
0xd2: {  	v33 =	vmul.f32 v33, v25;
	_ =	sdelay $0x1  }
0xd3: {  	v34 =	vsub.f32 v27, v33  }
0xd4: {  	v35 =	vsub.f32 v30, v33  }
0xd5: {  	v33 =	vsub.f32 v28, v33;
	v34 =	vadd.f32 $0.0e+00, v34  }
0xd6: {  	v35 =	vadd.f32 $0.0e+00, v35  }
0xd7: {  	v33 =	vadd.f32 $0.0e+00, v33;
	v34 =	vmul.f32 $1.442695020e+00, v34  }
0xd8: {  	v35 =	vmul.f32 $1.442695020e+00, v35  }
0xd9: {  	v33 =	vmul.f32 $1.442695020e+00, v33;
	(erf) = vpow2.f32 v34  }
0xda: {  	(erf) = vpow2.f32 v35  }
0xdb: {  	(erf) = vpow2.f32 v33;
	_ =	sdelay $0x6  }
0xdc: {  	v33 =	vpop (erf)  }
0xdd: {  	v33 =	vadd.f32 $1.000000000e+00, v33;
	v34 =	vpop (erf)  }
0xde: {  	v34 =	vadd.f32 $1.000000000e+00, v34;
	v35 =	vpop (erf)  }
0xdf: {  	v35 =	vadd.f32 $1.000000000e+00, v35;
	(erf) = vrcp.f32 v33  }
0xe0: {  	(erf) = vrcp.f32 v34  }
0xe1: {  	v31 =	vmul.u32 $0xC00, v31;
	(erf) = vrcp.f32 v35  }
.Ltmp1:
0xe2: {  	(pc) =	sbr.rel @p0 .LBB2_6-.Ltmp1, $4  }
0xe3: {  	v34 =	vmov s26;
	v35 =	vor.u32 v32, v31  }
0xe4: {  	v31 =	vshrl.u32 v34, $0x3;
	v33 =	vor.u32 v3, v35  }
0xe5: {  	v32 =	vshll.u32 v34, $0x7;
	v36 =	vshll.u32 v31, $0xC;
	v34 =	vor.u32 v4, v35  }
0xe6: {  	s26 =	sadd.s32 $0x1, s26;
	v32 =	vand.u32 $0x380, v32;
	v35 =	vor.u32 v5, v35;
	v37 =	vadd.s32 v26, v36  }
0xe7: {  	_ =	sdelay $0x1  }
0xe8: {  	v26 =	vor.u32 v32, v37;
	v29 =	vadd.s32 v29, v36  }
0xe9: {  	v29 =	vor.u32 v32, v29;
	v54 =	vpop (erf)  }
0xea: {  	[tilespmem:v33+s16+$0x0] =	vst.idx.msk $0xffff, v54;
	v55 =	vpop (erf)  }
0xeb: {  	[tilespmem:v34+s16+$0x0] =	vst.idx.msk $0xffff, v55;
	v56 =	vpop (erf)  }
0xec: {  	[tilespmem:v35+s16+$0x0] =	vst.idx.msk $0xffff, v56  }
0xed: {  	v26 =	vld.idx.msk [tilespmem:v26+s6+$0x0], $0xffff  }
0xee: {  	v29 =	vld.idx.msk [tilespmem:v29+s6+$0x0], $0xffff;
	_ =	sdelay $0x4  }
0xef: {  	v26 =	vsub.f32 v26, v29;
	_ =	sdelay $0x1  }
0xf0: {  	v26 =	vmul.f32 v26, v25;
	_ =	sdelay $0x1  }
0xf1: {  	v27 =	vsub.f32 v27, v26  }
0xf2: {  	v29 =	vsub.f32 v30, v26  }
0xf3: {  	v26 =	vsub.f32 v28, v26;
	v27 =	vadd.f32 $0.0e+00, v27  }
0xf4: {  	v28 =	vadd.f32 $0.0e+00, v29  }
0xf5: {  	v26 =	vadd.f32 $0.0e+00, v26;
	v27 =	vmul.f32 $1.442695020e+00, v27  }
0xf6: {  	v28 =	vmul.f32 $1.442695020e+00, v28  }
0xf7: {  	v26 =	vmul.f32 $1.442695020e+00, v26;
	(erf) = vpow2.f32 v27  }
0xf8: {  	(erf) = vpow2.f32 v28  }
0xf9: {  	(erf) = vpow2.f32 v26;
	_ =	sdelay $0x6  }
0xfa: {  	v26 =	vpop (erf)  }
0xfb: {  	v26 =	vadd.f32 $1.000000000e+00, v26;
	v27 =	vpop (erf)  }
0xfc: {  	v27 =	vadd.f32 $1.000000000e+00, v27;
	v28 =	vpop (erf)  }
0xfd: {  	v28 =	vadd.f32 $1.000000000e+00, v28;
	(erf) = vrcp.f32 v26  }
0xfe: {  	(erf) = vrcp.f32 v27  }
0xff: {  	v26 =	vmul.u32 $0xC00, v31;
	(erf) = vrcp.f32 v28;
	_ =	sdelay $0x1  }
0x100: {  	v26 =	vor.u32 v32, v26  }
0x101: {  	v27 =	vor.u32 v3, v26  }
0x102: {  	v28 =	vor.u32 v4, v26  }
0x103: {  	v26 =	vor.u32 v5, v26;
	_ =	sdelay $0x1  }
0x104: {  	v29 =	vpop (erf)  }
0x105: {  	[tilespmem:v27+s16+$0x0] =	vst.idx.msk $0xffff, v29;
	v27 =	vpop (erf)  }
0x106: {  	[tilespmem:v28+s16+$0x0] =	vst.idx.msk $0xffff, v27;
	v27 =	vpop (erf)  }
0x107: {  	[tilespmem:v26+s16+$0x0] =	vst.idx.msk $0xffff, v27  }
0x108: {  	v26 =	vld [tilespmem:s24+$0x8020];
	_ =	sdelay $0x2  }
0x109: {  	v27 =	vld [tilespmem:s24+$0x8820];
	_ =	sdelay $0x1  }
0x10a: {  	v28 =	vshll.u32 v26, $0x3  }
0x10b: {  	s26 =	simm.s32 $0x0;
	v26 =	vand.u32 $0x7F, v26;
	v28 =	vand.u32 $0xFFFFFC00, v28  }
0x10c: {  	v26 =	vor.u32 v26, v28;
	v28 =	vmov s26  }
0x10d: {  	v29 =	vand.u32 $0x7F, v27;
	v27 =	vshll.u32 v27, $0x3;
	v31 =	vshrl.u32 v28, $0x3  }
0x10e: {  	v27 =	vand.u32 $0xFFFFFC00, v27;
	v28 =	vshll.u32 v28, $0x7;
	v30 =	vshll.u32 v31, $0xC  }
0x10f: {  	v29 =	vor.u32 v29, v27;
	v57 =	vand.u32 $0x380, v28;
	v27 =	vadd.s32 v26, v30  }
0x110: {  	v28 =	vadd.s32 v29, v30;
	v27 =	vor.u32 v57, v27  }
0x111: {  	v28 =	vor.u32 v57, v28;
	_ =	sdelay $0x3  }
0x112: {  	v27 =	vld.idx.msk [tilespmem:v27+s6+$0x0], $0xffff  }
0x113: {  	v28 =	vld.idx.msk [tilespmem:v28+s6+$0x0], $0xffff;
	_ =	sdelay $0x1  }
0x114: {  	v30 =	vld [tilespmem:s25+$0x9020]  }
0x115: {  	v33 =	vld [tilespmem:s25+$0x90A0]  }
0x116: {  	v34 =	vld [tilespmem:s25+$0x9120]  }
0x117: {  	v28 =	vsub.f32 v27, v28;
	_ =	sdelay $0x1  }
0x118: {  	v27 =	vmul.f32 v30, v25;
	v58 =	vmul.f32 v28, v25  }
0x119: {  	v30 =	vmul.f32 v33, v25  }
0x11a: {  	v28 =	vmul.f32 v34, v25;
	v59 =	vsub.f32 v27, v58  }
0x11b: {  	v60 =	vsub.f32 v30, v58  }
0x11c: {  	v35 =	vsub.f32 v28, v58;
	v33 =	vadd.f32 $0.0e+00, v59  }
0x11d: {  	v34 =	vadd.f32 $0.0e+00, v60  }
0x11e: {  	v35 =	vadd.f32 $0.0e+00, v35;
	v33 =	vmul.f32 $1.442695020e+00, v33  }
0x11f: {  	v34 =	vmul.f32 $1.442695020e+00, v34  }
0x120: {  	v35 =	vmul.f32 $1.442695020e+00, v35;
	(erf) = vpow2.f32 v33  }
0x121: {  	(erf) = vpow2.f32 v34  }
0x122: {  	(erf) = vpow2.f32 v35;
	_ =	sdelay $0x6  }
0x123: {  	v33 =	vpop (erf)  }
0x124: {  	v33 =	vadd.f32 $1.000000000e+00, v33;
	v34 =	vpop (erf)  }
0x125: {  	v34 =	vadd.f32 $1.000000000e+00, v34;
	v35 =	vpop (erf)  }
0x126: {  	v35 =	vadd.f32 $1.000000000e+00, v35;
	(erf) = vrcp.f32 v33  }
0x127: {  	v31 =	vmul.u32 $0xC00, v31;
	(erf) = vrcp.f32 v34  }
0x128: {  	(erf) = vrcp.f32 v35  }
0x129: {  	s31 =	simm.s32 $0x1;
	v32 =	vor.u32 v57, v31  }
0x12a: {  	v61 =	vmov s31;
	v62 =	vadd.s32 v6, v32  }
0x12b: {  	v63 =	vshll.u32 v61, $0x7;
	v31 =	vshrl.u32 v61, $0x3;
	v33 =	vor.u32 v7, v62  }
0x12c: {  	v36 =	vshll.u32 v31, $0xC;
	v38 =	vadd.s32 v10, v32;
	v34 =	vor.u32 v8, v62  }
0x12d: {  	s26 =	simm.s32 $0x2;
	v32 =	vand.u32 $0x380, v63;
	v37 =	vadd.s32 v26, v36;
	v35 =	vadd.s32 v9, v38  }
.LBB2_8:
0x12e: {  	p0 =	sne.s32 s26, $0x3F;
	v37 =	vor.u32 v32, v37;
	v36 =	vadd.s32 v29, v36  }
0x12f: {  	v36 =	vor.u32 v32, v36;
	v38 =	vpop (erf)  }
0x130: {  	[tilespmem:v33+s16+$0x0] =	vst.idx.msk $0xffff, v38;
	v33 =	vpop (erf)  }
0x131: {  	[tilespmem:v34+s16+$0x0] =	vst.idx.msk $0xffff, v33;
	v33 =	vpop (erf)  }
0x132: {  	[tilespmem:v35+s16+$0x0] =	vst.idx.msk $0xffff, v33  }
0x133: {  	v33 =	vld.idx.msk [tilespmem:v37+s6+$0x0], $0xffff  }
0x134: {  	v34 =	vld.idx.msk [tilespmem:v36+s6+$0x0], $0xffff;
	_ =	sdelay $0x5  }
0x135: {  	v33 =	vsub.f32 v33, v34;
	_ =	sdelay $0x1  }
0x136: {  	v33 =	vmul.f32 v33, v25;
	_ =	sdelay $0x1  }
0x137: {  	v34 =	vsub.f32 v27, v33  }
0x138: {  	v35 =	vsub.f32 v30, v33  }
0x139: {  	v33 =	vsub.f32 v28, v33;
	v34 =	vadd.f32 $0.0e+00, v34  }
0x13a: {  	v35 =	vadd.f32 $0.0e+00, v35  }
0x13b: {  	v33 =	vadd.f32 $0.0e+00, v33;
	v34 =	vmul.f32 $1.442695020e+00, v34  }
0x13c: {  	v35 =	vmul.f32 $1.442695020e+00, v35  }
0x13d: {  	v33 =	vmul.f32 $1.442695020e+00, v33;
	(erf) = vpow2.f32 v34  }
0x13e: {  	(erf) = vpow2.f32 v35  }
0x13f: {  	(erf) = vpow2.f32 v33;
	_ =	sdelay $0x6  }
0x140: {  	v33 =	vpop (erf)  }
0x141: {  	v33 =	vadd.f32 $1.000000000e+00, v33;
	v34 =	vpop (erf)  }
0x142: {  	v34 =	vadd.f32 $1.000000000e+00, v34;
	v35 =	vpop (erf)  }
0x143: {  	v35 =	vadd.f32 $1.000000000e+00, v35;
	(erf) = vrcp.f32 v33  }
0x144: {  	v31 =	vmul.u32 $0xC00, v31;
	(erf) = vrcp.f32 v34  }
0x145: {  	(erf) = vrcp.f32 v35  }
.Ltmp2:
0x146: {  	v32 =	vor.u32 v32, v31;
	(pc) =	sbr.rel @p0 .LBB2_8-.Ltmp2, $4  }
0x147: {  	v33 =	vmov s26;
	v34 =	vadd.s32 v6, v32  }
0x148: {  	v31 =	vshrl.u32 v33, $0x3;
	v35 =	vshll.u32 v33, $0x7;
	v33 =	vor.u32 v7, v34  }
0x149: {  	v38 =	vadd.s32 v10, v32;
	v36 =	vshll.u32 v31, $0xC;
	v34 =	vor.u32 v8, v34  }
0x14a: {  	s26 =	sadd.s32 $0x1, s26;
	v32 =	vand.u32 $0x380, v35;
	v37 =	vadd.s32 v26, v36;
	v35 =	vadd.s32 v9, v38  }
0x14b: {  	_ =	sdelay $0x1  }
0x14c: {  	v26 =	vor.u32 v32, v37;
	v29 =	vadd.s32 v29, v36  }
0x14d: {  	v29 =	vor.u32 v32, v29;
	v56 =	vpop (erf)  }
0x14e: {  	[tilespmem:v33+s16+$0x0] =	vst.idx.msk $0xffff, v56;
	v57 =	vpop (erf)  }
0x14f: {  	[tilespmem:v34+s16+$0x0] =	vst.idx.msk $0xffff, v57;
	v58 =	vpop (erf)  }
0x150: {  	[tilespmem:v35+s16+$0x0] =	vst.idx.msk $0xffff, v58  }
0x151: {  	v26 =	vld.idx.msk [tilespmem:v26+s6+$0x0], $0xffff  }
0x152: {  	v29 =	vld.idx.msk [tilespmem:v29+s6+$0x0], $0xffff;
	_ =	sdelay $0x4  }
0x153: {  	v26 =	vsub.f32 v26, v29;
	_ =	sdelay $0x1  }
0x154: {  	v26 =	vmul.f32 v26, v25;
	_ =	sdelay $0x1  }
0x155: {  	v27 =	vsub.f32 v27, v26  }
0x156: {  	v29 =	vsub.f32 v30, v26  }
0x157: {  	v26 =	vsub.f32 v28, v26;
	v27 =	vadd.f32 $0.0e+00, v27  }
0x158: {  	v28 =	vadd.f32 $0.0e+00, v29  }
0x159: {  	v26 =	vadd.f32 $0.0e+00, v26;
	v27 =	vmul.f32 $1.442695020e+00, v27  }
0x15a: {  	v28 =	vmul.f32 $1.442695020e+00, v28  }
0x15b: {  	v26 =	vmul.f32 $1.442695020e+00, v26;
	(erf) = vpow2.f32 v27  }
0x15c: {  	(erf) = vpow2.f32 v28  }
0x15d: {  	(erf) = vpow2.f32 v26;
	_ =	sdelay $0x6  }
0x15e: {  	v26 =	vpop (erf)  }
0x15f: {  	v26 =	vadd.f32 $1.000000000e+00, v26;
	v27 =	vpop (erf)  }
0x160: {  	v27 =	vadd.f32 $1.000000000e+00, v27;
	v28 =	vpop (erf)  }
0x161: {  	v28 =	vadd.f32 $1.000000000e+00, v28;
	(erf) = vrcp.f32 v26  }
0x162: {  	v26 =	vmul.u32 $0xC00, v31;
	(erf) = vrcp.f32 v27  }
0x163: {  	(erf) = vrcp.f32 v28  }
0x164: {  	v26 =	vor.u32 v32, v26  }
0x165: {  	v27 =	vadd.s32 v6, v26  }
0x166: {  	v28 =	vor.u32 v7, v27  }
0x167: {  	v26 =	vadd.s32 v10, v26;
	v27 =	vor.u32 v8, v27  }
0x168: {  	v26 =	vadd.s32 v9, v26;
	_ =	sdelay $0x1  }
0x169: {  	v29 =	vpop (erf)  }
0x16a: {  	[tilespmem:v28+s16+$0x0] =	vst.idx.msk $0xffff, v29;
	v28 =	vpop (erf)  }
0x16b: {  	[tilespmem:v27+s16+$0x0] =	vst.idx.msk $0xffff, v28;
	v27 =	vpop (erf)  }
0x16c: {  	[tilespmem:v26+s16+$0x0] =	vst.idx.msk $0xffff, v27  }
0x16d: {  	v26 =	vld [tilespmem:s24+$0x8030];
	_ =	sdelay $0x2  }
0x16e: {  	v27 =	vld [tilespmem:s24+$0x8830];
	_ =	sdelay $0x1  }
0x16f: {  	v28 =	vshll.u32 v26, $0x3  }
0x170: {  	s26 =	simm.s32 $0x0;
	v26 =	vand.u32 $0x7F, v26;
	v28 =	vand.u32 $0xFFFFFC00, v28  }
0x171: {  	v26 =	vor.u32 v26, v28;
	v28 =	vmov s26  }
0x172: {  	v29 =	vand.u32 $0x7F, v27;
	v27 =	vshll.u32 v27, $0x3;
	v31 =	vshrl.u32 v28, $0x3  }
0x173: {  	v27 =	vand.u32 $0xFFFFFC00, v27;
	v28 =	vshll.u32 v28, $0x7;
	v30 =	vshll.u32 v31, $0xC  }
0x174: {  	v29 =	vor.u32 v29, v27;
	v59 =	vand.u32 $0x380, v28;
	v27 =	vadd.s32 v26, v30  }
0x175: {  	v28 =	vadd.s32 v29, v30;
	v27 =	vor.u32 v59, v27  }
0x176: {  	v28 =	vor.u32 v59, v28;
	_ =	sdelay $0x3  }
0x177: {  	v27 =	vld.idx.msk [tilespmem:v27+s6+$0x0], $0xffff  }
0x178: {  	v28 =	vld.idx.msk [tilespmem:v28+s6+$0x0], $0xffff;
	_ =	sdelay $0x1  }
0x179: {  	v30 =	vld [tilespmem:s25+$0x9030]  }
0x17a: {  	v33 =	vld [tilespmem:s25+$0x90B0]  }
0x17b: {  	v34 =	vld [tilespmem:s25+$0x9130]  }
0x17c: {  	v28 =	vsub.f32 v27, v28;
	_ =	sdelay $0x1  }
0x17d: {  	v27 =	vmul.f32 v30, v25;
	v60 =	vmul.f32 v28, v25  }
0x17e: {  	v30 =	vmul.f32 v33, v25  }
0x17f: {  	v28 =	vmul.f32 v34, v25;
	v61 =	vsub.f32 v27, v60  }
0x180: {  	v62 =	vsub.f32 v30, v60  }
0x181: {  	v35 =	vsub.f32 v28, v60;
	v33 =	vadd.f32 $0.0e+00, v61  }
0x182: {  	v34 =	vadd.f32 $0.0e+00, v62  }
0x183: {  	v35 =	vadd.f32 $0.0e+00, v35;
	v33 =	vmul.f32 $1.442695020e+00, v33  }
0x184: {  	v34 =	vmul.f32 $1.442695020e+00, v34  }
0x185: {  	v35 =	vmul.f32 $1.442695020e+00, v35;
	(erf) = vpow2.f32 v33  }
0x186: {  	(erf) = vpow2.f32 v34  }
0x187: {  	(erf) = vpow2.f32 v35;
	_ =	sdelay $0x6  }
0x188: {  	v33 =	vpop (erf)  }
0x189: {  	v33 =	vadd.f32 $1.000000000e+00, v33;
	v34 =	vpop (erf)  }
0x18a: {  	v34 =	vadd.f32 $1.000000000e+00, v34;
	v35 =	vpop (erf)  }
0x18b: {  	v35 =	vadd.f32 $1.000000000e+00, v35;
	(erf) = vrcp.f32 v33  }
0x18c: {  	v31 =	vmul.u32 $0xC00, v31;
	(erf) = vrcp.f32 v34  }
0x18d: {  	(erf) = vrcp.f32 v35  }
0x18e: {  	s31 =	simm.s32 $0x1;
	v31 =	vor.u32 v59, v31  }
0x18f: {  	v63 =	vmov s31;
	v38 =	vadd.s32 $0x400, v31  }
0x190: {  	v31 =	vshrl.u32 v63, $0x3;
	v33 =	vor.u32 v11, v38  }
0x191: {  	v32 =	vshll.u32 v63, $0x7;
	v36 =	vshll.u32 v31, $0xC;
	v34 =	vor.u32 v12, v38  }
0x192: {  	v32 =	vand.u32 $0x380, v32;
	s26 =	simm.s32 $0x2;
	v37 =	vadd.s32 v26, v36;
	v35 =	vor.u32 v13, v38  }
.LBB2_10:
0x193: {  	p0 =	sne.s32 s26, $0x3F;
	v37 =	vor.u32 v32, v37;
	v36 =	vadd.s32 v29, v36  }
0x194: {  	v36 =	vor.u32 v32, v36;
	v38 =	vpop (erf)  }
0x195: {  	[tilespmem:v33+s16+$0x0] =	vst.idx.msk $0xffff, v38;
	v33 =	vpop (erf)  }
0x196: {  	[tilespmem:v34+s16+$0x0] =	vst.idx.msk $0xffff, v33;
	v33 =	vpop (erf)  }
0x197: {  	[tilespmem:v35+s16+$0x0] =	vst.idx.msk $0xffff, v33  }
0x198: {  	v33 =	vld.idx.msk [tilespmem:v37+s6+$0x0], $0xffff  }
0x199: {  	v34 =	vld.idx.msk [tilespmem:v36+s6+$0x0], $0xffff;
	_ =	sdelay $0x5  }
0x19a: {  	v33 =	vsub.f32 v33, v34;
	_ =	sdelay $0x1  }
0x19b: {  	v33 =	vmul.f32 v33, v25;
	_ =	sdelay $0x1  }
0x19c: {  	v34 =	vsub.f32 v27, v33  }
0x19d: {  	v35 =	vsub.f32 v30, v33  }
0x19e: {  	v33 =	vsub.f32 v28, v33;
	v34 =	vadd.f32 $0.0e+00, v34  }
0x19f: {  	v35 =	vadd.f32 $0.0e+00, v35  }
0x1a0: {  	v33 =	vadd.f32 $0.0e+00, v33;
	v34 =	vmul.f32 $1.442695020e+00, v34  }
0x1a1: {  	v35 =	vmul.f32 $1.442695020e+00, v35  }
0x1a2: {  	v33 =	vmul.f32 $1.442695020e+00, v33;
	(erf) = vpow2.f32 v34  }
0x1a3: {  	(erf) = vpow2.f32 v35  }
0x1a4: {  	(erf) = vpow2.f32 v33;
	_ =	sdelay $0x6  }
0x1a5: {  	v33 =	vpop (erf)  }
0x1a6: {  	v33 =	vadd.f32 $1.000000000e+00, v33;
	v34 =	vpop (erf)  }
0x1a7: {  	v34 =	vadd.f32 $1.000000000e+00, v34;
	v35 =	vpop (erf)  }
0x1a8: {  	v35 =	vadd.f32 $1.000000000e+00, v35;
	(erf) = vrcp.f32 v33  }
0x1a9: {  	v31 =	vmul.u32 $0xC00, v31;
	(erf) = vrcp.f32 v34  }
0x1aa: {  	(erf) = vrcp.f32 v35  }
.Ltmp3:
0x1ab: {  	v31 =	vor.u32 v32, v31;
	(pc) =	sbr.rel @p0 .LBB2_10-.Ltmp3, $4  }
0x1ac: {  	v32 =	vmov s26;
	v35 =	vadd.s32 $0x400, v31  }
0x1ad: {  	v31 =	vshrl.u32 v32, $0x3;
	v33 =	vor.u32 v11, v35  }
0x1ae: {  	v32 =	vshll.u32 v32, $0x7;
	v36 =	vshll.u32 v31, $0xC;
	v34 =	vor.u32 v12, v35  }
0x1af: {  	s26 =	sadd.s32 $0x1, s26;
	v32 =	vand.u32 $0x380, v32;
	v35 =	vor.u32 v13, v35;
	v37 =	vadd.s32 v26, v36  }
0x1b0: {  	_ =	sdelay $0x1  }
0x1b1: {  	v26 =	vor.u32 v32, v37;
	v29 =	vadd.s32 v29, v36  }
0x1b2: {  	v29 =	vor.u32 v32, v29;
	v56 =	vpop (erf)  }
0x1b3: {  	[tilespmem:v33+s16+$0x0] =	vst.idx.msk $0xffff, v56;
	v57 =	vpop (erf)  }
0x1b4: {  	[tilespmem:v34+s16+$0x0] =	vst.idx.msk $0xffff, v57;
	v58 =	vpop (erf)  }
0x1b5: {  	[tilespmem:v35+s16+$0x0] =	vst.idx.msk $0xffff, v58  }
0x1b6: {  	v26 =	vld.idx.msk [tilespmem:v26+s6+$0x0], $0xffff  }
0x1b7: {  	v29 =	vld.idx.msk [tilespmem:v29+s6+$0x0], $0xffff;
	_ =	sdelay $0x4  }
0x1b8: {  	v26 =	vsub.f32 v26, v29;
	_ =	sdelay $0x1  }
0x1b9: {  	v26 =	vmul.f32 v26, v25;
	_ =	sdelay $0x1  }
0x1ba: {  	v27 =	vsub.f32 v27, v26  }
0x1bb: {  	v29 =	vsub.f32 v30, v26  }
0x1bc: {  	v26 =	vsub.f32 v28, v26;
	v27 =	vadd.f32 $0.0e+00, v27  }
0x1bd: {  	v28 =	vadd.f32 $0.0e+00, v29  }
0x1be: {  	v26 =	vadd.f32 $0.0e+00, v26;
	v27 =	vmul.f32 $1.442695020e+00, v27  }
0x1bf: {  	v28 =	vmul.f32 $1.442695020e+00, v28  }
0x1c0: {  	v26 =	vmul.f32 $1.442695020e+00, v26;
	(erf) = vpow2.f32 v27  }
0x1c1: {  	(erf) = vpow2.f32 v28  }
0x1c2: {  	(erf) = vpow2.f32 v26;
	_ =	sdelay $0x6  }
0x1c3: {  	v26 =	vpop (erf)  }
0x1c4: {  	v26 =	vadd.f32 $1.000000000e+00, v26;
	v27 =	vpop (erf)  }
0x1c5: {  	v27 =	vadd.f32 $1.000000000e+00, v27;
	v28 =	vpop (erf)  }
0x1c6: {  	v28 =	vadd.f32 $1.000000000e+00, v28;
	(erf) = vrcp.f32 v26  }
0x1c7: {  	v26 =	vmul.u32 $0xC00, v31;
	(erf) = vrcp.f32 v27  }
0x1c8: {  	(erf) = vrcp.f32 v28  }
0x1c9: {  	v26 =	vor.u32 v32, v26  }
0x1ca: {  	v26 =	vadd.s32 $0x400, v26  }
0x1cb: {  	v27 =	vor.u32 v11, v26  }
0x1cc: {  	v28 =	vor.u32 v12, v26  }
0x1cd: {  	v26 =	vor.u32 v13, v26;
	_ =	sdelay $0x1  }
0x1ce: {  	v29 =	vpop (erf)  }
0x1cf: {  	[tilespmem:v27+s16+$0x0] =	vst.idx.msk $0xffff, v29;
	v27 =	vpop (erf)  }
0x1d0: {  	[tilespmem:v28+s16+$0x0] =	vst.idx.msk $0xffff, v27;
	v27 =	vpop (erf)  }
0x1d1: {  	[tilespmem:v26+s16+$0x0] =	vst.idx.msk $0xffff, v27  }
0x1d2: {  	v26 =	vld [tilespmem:s24+$0x8040];
	_ =	sdelay $0x2  }
0x1d3: {  	v27 =	vld [tilespmem:s24+$0x8840];
	_ =	sdelay $0x1  }
0x1d4: {  	v28 =	vshll.u32 v26, $0x3  }
0x1d5: {  	s26 =	simm.s32 $0x0;
	v26 =	vand.u32 $0x7F, v26;
	v28 =	vand.u32 $0xFFFFFC00, v28  }
0x1d6: {  	v26 =	vor.u32 v26, v28;
	v28 =	vmov s26  }
0x1d7: {  	v29 =	vand.u32 $0x7F, v27;
	v27 =	vshll.u32 v27, $0x3;
	v31 =	vshrl.u32 v28, $0x3  }
0x1d8: {  	v27 =	vand.u32 $0xFFFFFC00, v27;
	v28 =	vshll.u32 v28, $0x7;
	v30 =	vshll.u32 v31, $0xC  }
0x1d9: {  	v29 =	vor.u32 v29, v27;
	v59 =	vand.u32 $0x380, v28;
	v27 =	vadd.s32 v26, v30  }
0x1da: {  	v28 =	vadd.s32 v29, v30;
	v27 =	vor.u32 v59, v27  }
0x1db: {  	v28 =	vor.u32 v59, v28;
	_ =	sdelay $0x3  }
0x1dc: {  	v27 =	vld.idx.msk [tilespmem:v27+s6+$0x0], $0xffff  }
0x1dd: {  	v28 =	vld.idx.msk [tilespmem:v28+s6+$0x0], $0xffff;
	_ =	sdelay $0x1  }
0x1de: {  	v30 =	vld [tilespmem:s25+$0x9040]  }
0x1df: {  	v33 =	vld [tilespmem:s25+$0x90C0]  }
0x1e0: {  	v34 =	vld [tilespmem:s25+$0x9140]  }
0x1e1: {  	v28 =	vsub.f32 v27, v28;
	_ =	sdelay $0x1  }
0x1e2: {  	v27 =	vmul.f32 v30, v25;
	v60 =	vmul.f32 v28, v25  }
0x1e3: {  	v30 =	vmul.f32 v33, v25  }
0x1e4: {  	v28 =	vmul.f32 v34, v25;
	v61 =	vsub.f32 v27, v60  }
0x1e5: {  	v62 =	vsub.f32 v30, v60  }
0x1e6: {  	v35 =	vsub.f32 v28, v60;
	v33 =	vadd.f32 $0.0e+00, v61  }
0x1e7: {  	v34 =	vadd.f32 $0.0e+00, v62  }
0x1e8: {  	v35 =	vadd.f32 $0.0e+00, v35;
	v33 =	vmul.f32 $1.442695020e+00, v33  }
0x1e9: {  	v34 =	vmul.f32 $1.442695020e+00, v34  }
0x1ea: {  	v35 =	vmul.f32 $1.442695020e+00, v35;
	(erf) = vpow2.f32 v33  }
0x1eb: {  	(erf) = vpow2.f32 v34  }
0x1ec: {  	(erf) = vpow2.f32 v35;
	_ =	sdelay $0x6  }
0x1ed: {  	v33 =	vpop (erf)  }
0x1ee: {  	v33 =	vadd.f32 $1.000000000e+00, v33;
	v34 =	vpop (erf)  }
0x1ef: {  	v34 =	vadd.f32 $1.000000000e+00, v34;
	v35 =	vpop (erf)  }
0x1f0: {  	v35 =	vadd.f32 $1.000000000e+00, v35;
	(erf) = vrcp.f32 v33  }
0x1f1: {  	v31 =	vmul.u32 $0xC00, v31;
	(erf) = vrcp.f32 v34  }
0x1f2: {  	(erf) = vrcp.f32 v35  }
0x1f3: {  	s31 =	simm.s32 $0x1;
	v31 =	vor.u32 v59, v31  }
0x1f4: {  	v63 =	vmov s31;
	v38 =	vadd.s32 $0x400, v31  }
0x1f5: {  	v31 =	vshrl.u32 v63, $0x3;
	v33 =	vor.u32 v14, v38  }
0x1f6: {  	v32 =	vshll.u32 v63, $0x7;
	v36 =	vshll.u32 v31, $0xC;
	v34 =	vor.u32 v15, v38  }
0x1f7: {  	v32 =	vand.u32 $0x380, v32;
	s26 =	simm.s32 $0x2;
	v37 =	vadd.s32 v26, v36;
	v35 =	vor.u32 v16, v38  }
.LBB2_12:
0x1f8: {  	p0 =	sne.s32 s26, $0x3F;
	v37 =	vor.u32 v32, v37;
	v36 =	vadd.s32 v29, v36  }
0x1f9: {  	v36 =	vor.u32 v32, v36;
	v38 =	vpop (erf)  }
0x1fa: {  	[tilespmem:v33+s16+$0x0] =	vst.idx.msk $0xffff, v38;
	v33 =	vpop (erf)  }
0x1fb: {  	[tilespmem:v34+s16+$0x0] =	vst.idx.msk $0xffff, v33;
	v33 =	vpop (erf)  }
0x1fc: {  	[tilespmem:v35+s16+$0x0] =	vst.idx.msk $0xffff, v33  }
0x1fd: {  	v33 =	vld.idx.msk [tilespmem:v37+s6+$0x0], $0xffff  }
0x1fe: {  	v34 =	vld.idx.msk [tilespmem:v36+s6+$0x0], $0xffff;
	_ =	sdelay $0x5  }
0x1ff: {  	v33 =	vsub.f32 v33, v34;
	_ =	sdelay $0x1  }
0x200: {  	v33 =	vmul.f32 v33, v25;
	_ =	sdelay $0x1  }
0x201: {  	v34 =	vsub.f32 v27, v33  }
0x202: {  	v35 =	vsub.f32 v30, v33  }
0x203: {  	v33 =	vsub.f32 v28, v33;
	v34 =	vadd.f32 $0.0e+00, v34  }
0x204: {  	v35 =	vadd.f32 $0.0e+00, v35  }
0x205: {  	v33 =	vadd.f32 $0.0e+00, v33;
	v34 =	vmul.f32 $1.442695020e+00, v34  }
0x206: {  	v35 =	vmul.f32 $1.442695020e+00, v35  }
0x207: {  	v33 =	vmul.f32 $1.442695020e+00, v33;
	(erf) = vpow2.f32 v34  }
0x208: {  	(erf) = vpow2.f32 v35  }
0x209: {  	(erf) = vpow2.f32 v33;
	_ =	sdelay $0x6  }
0x20a: {  	v33 =	vpop (erf)  }
0x20b: {  	v33 =	vadd.f32 $1.000000000e+00, v33;
	v34 =	vpop (erf)  }
0x20c: {  	v34 =	vadd.f32 $1.000000000e+00, v34;
	v35 =	vpop (erf)  }
0x20d: {  	v35 =	vadd.f32 $1.000000000e+00, v35;
	(erf) = vrcp.f32 v33  }
0x20e: {  	v31 =	vmul.u32 $0xC00, v31;
	(erf) = vrcp.f32 v34  }
0x20f: {  	(erf) = vrcp.f32 v35  }
.Ltmp4:
0x210: {  	v31 =	vor.u32 v32, v31;
	(pc) =	sbr.rel @p0 .LBB2_12-.Ltmp4, $4  }
0x211: {  	v32 =	vmov s26;
	v35 =	vadd.s32 $0x400, v31  }
0x212: {  	v31 =	vshrl.u32 v32, $0x3;
	v33 =	vor.u32 v14, v35  }
0x213: {  	v32 =	vshll.u32 v32, $0x7;
	v36 =	vshll.u32 v31, $0xC;
	v34 =	vor.u32 v15, v35  }
0x214: {  	s26 =	sadd.s32 $0x1, s26;
	v32 =	vand.u32 $0x380, v32;
	v35 =	vor.u32 v16, v35;
	v37 =	vadd.s32 v26, v36  }
0x215: {  	_ =	sdelay $0x1  }
0x216: {  	v26 =	vor.u32 v32, v37;
	v29 =	vadd.s32 v29, v36  }
0x217: {  	v29 =	vor.u32 v32, v29;
	v53 =	vpop (erf)  }
0x218: {  	[tilespmem:v33+s16+$0x0] =	vst.idx.msk $0xffff, v53;
	v54 =	vpop (erf)  }
0x219: {  	[tilespmem:v34+s16+$0x0] =	vst.idx.msk $0xffff, v54;
	v55 =	vpop (erf)  }
0x21a: {  	[tilespmem:v35+s16+$0x0] =	vst.idx.msk $0xffff, v55  }
0x21b: {  	v26 =	vld.idx.msk [tilespmem:v26+s6+$0x0], $0xffff  }
0x21c: {  	v29 =	vld.idx.msk [tilespmem:v29+s6+$0x0], $0xffff;
	_ =	sdelay $0x4  }
0x21d: {  	v26 =	vsub.f32 v26, v29;
	_ =	sdelay $0x1  }
0x21e: {  	v26 =	vmul.f32 v26, v25;
	_ =	sdelay $0x1  }
0x21f: {  	v27 =	vsub.f32 v27, v26  }
0x220: {  	v29 =	vsub.f32 v30, v26  }
0x221: {  	v26 =	vsub.f32 v28, v26;
	v27 =	vadd.f32 $0.0e+00, v27  }
0x222: {  	v28 =	vadd.f32 $0.0e+00, v29  }
0x223: {  	v26 =	vadd.f32 $0.0e+00, v26;
	v27 =	vmul.f32 $1.442695020e+00, v27  }
0x224: {  	v28 =	vmul.f32 $1.442695020e+00, v28  }
0x225: {  	v26 =	vmul.f32 $1.442695020e+00, v26;
	(erf) = vpow2.f32 v27  }
0x226: {  	(erf) = vpow2.f32 v28  }
0x227: {  	(erf) = vpow2.f32 v26;
	_ =	sdelay $0x6  }
0x228: {  	v26 =	vpop (erf)  }
0x229: {  	v26 =	vadd.f32 $1.000000000e+00, v26;
	v27 =	vpop (erf)  }
0x22a: {  	v27 =	vadd.f32 $1.000000000e+00, v27;
	v28 =	vpop (erf)  }
0x22b: {  	v28 =	vadd.f32 $1.000000000e+00, v28;
	(erf) = vrcp.f32 v26  }
0x22c: {  	v26 =	vmul.u32 $0xC00, v31;
	(erf) = vrcp.f32 v27  }
0x22d: {  	(erf) = vrcp.f32 v28  }
0x22e: {  	v26 =	vor.u32 v32, v26  }
0x22f: {  	v26 =	vadd.s32 $0x400, v26  }
0x230: {  	v27 =	vor.u32 v14, v26  }
0x231: {  	v28 =	vor.u32 v15, v26  }
0x232: {  	v26 =	vor.u32 v16, v26;
	_ =	sdelay $0x1  }
0x233: {  	v29 =	vpop (erf)  }
0x234: {  	[tilespmem:v27+s16+$0x0] =	vst.idx.msk $0xffff, v29;
	v27 =	vpop (erf)  }
0x235: {  	[tilespmem:v28+s16+$0x0] =	vst.idx.msk $0xffff, v27;
	v27 =	vpop (erf)  }
0x236: {  	[tilespmem:v26+s16+$0x0] =	vst.idx.msk $0xffff, v27  }
0x237: {  	v26 =	vld [tilespmem:s24+$0x8050];
	_ =	sdelay $0x2  }
0x238: {  	v27 =	vld [tilespmem:s24+$0x8850];
	_ =	sdelay $0x1  }
0x239: {  	v28 =	vshll.u32 v26, $0x3  }
0x23a: {  	s26 =	simm.s32 $0x0;
	v26 =	vand.u32 $0x7F, v26;
	v28 =	vand.u32 $0xFFFFFC00, v28  }
0x23b: {  	v26 =	vor.u32 v26, v28;
	v28 =	vmov s26  }
0x23c: {  	v29 =	vand.u32 $0x7F, v27;
	v27 =	vshll.u32 v27, $0x3;
	v31 =	vshrl.u32 v28, $0x3  }
0x23d: {  	v27 =	vand.u32 $0xFFFFFC00, v27;
	v28 =	vshll.u32 v28, $0x7;
	v30 =	vshll.u32 v31, $0xC  }
0x23e: {  	v29 =	vor.u32 v29, v27;
	v56 =	vand.u32 $0x380, v28;
	v27 =	vadd.s32 v26, v30  }
0x23f: {  	v28 =	vadd.s32 v29, v30;
	v27 =	vor.u32 v56, v27  }
0x240: {  	v28 =	vor.u32 v56, v28;
	_ =	sdelay $0x3  }
0x241: {  	v27 =	vld.idx.msk [tilespmem:v27+s6+$0x0], $0xffff  }
0x242: {  	v28 =	vld.idx.msk [tilespmem:v28+s6+$0x0], $0xffff;
	_ =	sdelay $0x1  }
0x243: {  	v30 =	vld [tilespmem:s25+$0x9050]  }
0x244: {  	v33 =	vld [tilespmem:s25+$0x90D0]  }
0x245: {  	v34 =	vld [tilespmem:s25+$0x9150]  }
0x246: {  	v28 =	vsub.f32 v27, v28;
	_ =	sdelay $0x1  }
0x247: {  	v27 =	vmul.f32 v30, v25;
	v57 =	vmul.f32 v28, v25  }
0x248: {  	v30 =	vmul.f32 v33, v25  }
0x249: {  	v28 =	vmul.f32 v34, v25;
	v58 =	vsub.f32 v27, v57  }
0x24a: {  	v59 =	vsub.f32 v30, v57  }
0x24b: {  	v35 =	vsub.f32 v28, v57;
	v33 =	vadd.f32 $0.0e+00, v58  }
0x24c: {  	v34 =	vadd.f32 $0.0e+00, v59  }
0x24d: {  	v35 =	vadd.f32 $0.0e+00, v35;
	v33 =	vmul.f32 $1.442695020e+00, v33  }
0x24e: {  	v34 =	vmul.f32 $1.442695020e+00, v34  }
0x24f: {  	v35 =	vmul.f32 $1.442695020e+00, v35;
	(erf) = vpow2.f32 v33  }
0x250: {  	(erf) = vpow2.f32 v34  }
0x251: {  	(erf) = vpow2.f32 v35;
	_ =	sdelay $0x6  }
0x252: {  	v33 =	vpop (erf)  }
0x253: {  	v33 =	vadd.f32 $1.000000000e+00, v33;
	v34 =	vpop (erf)  }
0x254: {  	v34 =	vadd.f32 $1.000000000e+00, v34;
	v35 =	vpop (erf)  }
0x255: {  	v35 =	vadd.f32 $1.000000000e+00, v35;
	(erf) = vrcp.f32 v33  }
0x256: {  	v31 =	vmul.u32 $0xC00, v31;
	(erf) = vrcp.f32 v34  }
0x257: {  	(erf) = vrcp.f32 v35  }
0x258: {  	s31 =	simm.s32 $0x1;
	v32 =	vor.u32 v56, v31  }
0x259: {  	v60 =	vmov s31;
	v61 =	vadd.s32 v18, v32  }
0x25a: {  	v31 =	vshrl.u32 v60, $0x3;
	v62 =	vadd.s32 v19, v32;
	v33 =	vadd.s32 v17, v61  }
0x25b: {  	v63 =	vshll.u32 v60, $0x7;
	v36 =	vshll.u32 v31, $0xC;
	v34 =	vor.u32 v20, v62  }
0x25c: {  	s26 =	simm.s32 $0x2;
	v32 =	vand.u32 $0x380, v63;
	v37 =	vadd.s32 v26, v36;
	v35 =	vor.u32 v21, v62  }
.LBB2_14:
0x25d: {  	p0 =	sne.s32 s26, $0x3F;
	v37 =	vor.u32 v32, v37;
	v36 =	vadd.s32 v29, v36  }
0x25e: {  	v36 =	vor.u32 v32, v36;
	v38 =	vpop (erf)  }
0x25f: {  	[tilespmem:v33+s16+$0x0] =	vst.idx.msk $0xffff, v38;
	v33 =	vpop (erf)  }
0x260: {  	[tilespmem:v34+s16+$0x0] =	vst.idx.msk $0xffff, v33;
	v33 =	vpop (erf)  }
0x261: {  	[tilespmem:v35+s16+$0x0] =	vst.idx.msk $0xffff, v33  }
0x262: {  	v33 =	vld.idx.msk [tilespmem:v37+s6+$0x0], $0xffff  }
0x263: {  	v34 =	vld.idx.msk [tilespmem:v36+s6+$0x0], $0xffff;
	_ =	sdelay $0x5  }
0x264: {  	v33 =	vsub.f32 v33, v34;
	_ =	sdelay $0x1  }
0x265: {  	v33 =	vmul.f32 v33, v25;
	_ =	sdelay $0x1  }
0x266: {  	v34 =	vsub.f32 v27, v33  }
0x267: {  	v35 =	vsub.f32 v30, v33  }
0x268: {  	v33 =	vsub.f32 v28, v33;
	v34 =	vadd.f32 $0.0e+00, v34  }
0x269: {  	v35 =	vadd.f32 $0.0e+00, v35  }
0x26a: {  	v33 =	vadd.f32 $0.0e+00, v33;
	v34 =	vmul.f32 $1.442695020e+00, v34  }
0x26b: {  	v35 =	vmul.f32 $1.442695020e+00, v35  }
0x26c: {  	v33 =	vmul.f32 $1.442695020e+00, v33;
	(erf) = vpow2.f32 v34  }
0x26d: {  	(erf) = vpow2.f32 v35  }
0x26e: {  	(erf) = vpow2.f32 v33;
	_ =	sdelay $0x6  }
0x26f: {  	v33 =	vpop (erf)  }
0x270: {  	v33 =	vadd.f32 $1.000000000e+00, v33;
	v34 =	vpop (erf)  }
0x271: {  	v34 =	vadd.f32 $1.000000000e+00, v34;
	v35 =	vpop (erf)  }
0x272: {  	v35 =	vadd.f32 $1.000000000e+00, v35;
	(erf) = vrcp.f32 v33  }
0x273: {  	v31 =	vmul.u32 $0xC00, v31;
	(erf) = vrcp.f32 v34  }
0x274: {  	(erf) = vrcp.f32 v35  }
.Ltmp5:
0x275: {  	v32 =	vor.u32 v32, v31;
	(pc) =	sbr.rel @p0 .LBB2_14-.Ltmp5, $4  }
0x276: {  	v33 =	vadd.s32 v18, v32;
	v34 =	vmov s26  }
0x277: {  	v33 =	vadd.s32 v17, v33;
	v31 =	vshrl.u32 v34, $0x3;
	v35 =	vadd.s32 v19, v32  }
0x278: {  	v32 =	vshll.u32 v34, $0x7;
	v36 =	vshll.u32 v31, $0xC;
	v34 =	vor.u32 v20, v35  }
0x279: {  	s26 =	sadd.s32 $0x1, s26;
	v32 =	vand.u32 $0x380, v32;
	v35 =	vor.u32 v21, v35;
	v37 =	vadd.s32 v26, v36  }
0x27a: {  	_ =	sdelay $0x1  }
0x27b: {  	v26 =	vor.u32 v32, v37;
	v29 =	vadd.s32 v29, v36  }
0x27c: {  	v29 =	vor.u32 v32, v29;
	v56 =	vpop (erf)  }
0x27d: {  	[tilespmem:v33+s16+$0x0] =	vst.idx.msk $0xffff, v56;
	v57 =	vpop (erf)  }
0x27e: {  	[tilespmem:v34+s16+$0x0] =	vst.idx.msk $0xffff, v57;
	v58 =	vpop (erf)  }
0x27f: {  	[tilespmem:v35+s16+$0x0] =	vst.idx.msk $0xffff, v58  }
0x280: {  	v26 =	vld.idx.msk [tilespmem:v26+s6+$0x0], $0xffff  }
0x281: {  	v29 =	vld.idx.msk [tilespmem:v29+s6+$0x0], $0xffff;
	_ =	sdelay $0x4  }
0x282: {  	v26 =	vsub.f32 v26, v29;
	_ =	sdelay $0x1  }
0x283: {  	v26 =	vmul.f32 v26, v25;
	_ =	sdelay $0x1  }
0x284: {  	v27 =	vsub.f32 v27, v26  }
0x285: {  	v29 =	vsub.f32 v30, v26  }
0x286: {  	v26 =	vsub.f32 v28, v26;
	v27 =	vadd.f32 $0.0e+00, v27  }
0x287: {  	v28 =	vadd.f32 $0.0e+00, v29  }
0x288: {  	v26 =	vadd.f32 $0.0e+00, v26;
	v27 =	vmul.f32 $1.442695020e+00, v27  }
0x289: {  	v28 =	vmul.f32 $1.442695020e+00, v28  }
0x28a: {  	v26 =	vmul.f32 $1.442695020e+00, v26;
	(erf) = vpow2.f32 v27  }
0x28b: {  	(erf) = vpow2.f32 v28  }
0x28c: {  	(erf) = vpow2.f32 v26;
	_ =	sdelay $0x6  }
0x28d: {  	v26 =	vpop (erf)  }
0x28e: {  	v26 =	vadd.f32 $1.000000000e+00, v26;
	v27 =	vpop (erf)  }
0x28f: {  	v27 =	vadd.f32 $1.000000000e+00, v27;
	v28 =	vpop (erf)  }
0x290: {  	v28 =	vadd.f32 $1.000000000e+00, v28;
	(erf) = vrcp.f32 v26  }
0x291: {  	v26 =	vmul.u32 $0xC00, v31;
	(erf) = vrcp.f32 v27  }
0x292: {  	(erf) = vrcp.f32 v28  }
0x293: {  	v26 =	vor.u32 v32, v26  }
0x294: {  	v27 =	vadd.s32 v18, v26  }
0x295: {  	v26 =	vadd.s32 v19, v26;
	v27 =	vadd.s32 v17, v27  }
0x296: {  	v28 =	vor.u32 v20, v26  }
0x297: {  	v26 =	vor.u32 v21, v26;
	_ =	sdelay $0x1  }
0x298: {  	v29 =	vpop (erf)  }
0x299: {  	[tilespmem:v27+s16+$0x0] =	vst.idx.msk $0xffff, v29;
	v27 =	vpop (erf)  }
0x29a: {  	[tilespmem:v28+s16+$0x0] =	vst.idx.msk $0xffff, v27;
	v27 =	vpop (erf)  }
0x29b: {  	[tilespmem:v26+s16+$0x0] =	vst.idx.msk $0xffff, v27  }
0x29c: {  	v26 =	vld [tilespmem:s24+$0x8060];
	_ =	sdelay $0x2  }
0x29d: {  	v27 =	vld [tilespmem:s24+$0x8860];
	_ =	sdelay $0x1  }
0x29e: {  	v28 =	vshll.u32 v26, $0x3  }
0x29f: {  	s26 =	simm.s32 $0x0;
	v26 =	vand.u32 $0x7F, v26;
	v28 =	vand.u32 $0xFFFFFC00, v28  }
0x2a0: {  	v26 =	vor.u32 v26, v28;
	v28 =	vmov s26  }
0x2a1: {  	v29 =	vand.u32 $0x7F, v27;
	v27 =	vshll.u32 v27, $0x3;
	v31 =	vshrl.u32 v28, $0x3  }
0x2a2: {  	v27 =	vand.u32 $0xFFFFFC00, v27;
	v28 =	vshll.u32 v28, $0x7;
	v30 =	vshll.u32 v31, $0xC  }
0x2a3: {  	v29 =	vor.u32 v29, v27;
	v59 =	vand.u32 $0x380, v28;
	v27 =	vadd.s32 v26, v30  }
0x2a4: {  	v28 =	vadd.s32 v29, v30;
	v27 =	vor.u32 v59, v27  }
0x2a5: {  	v28 =	vor.u32 v59, v28;
	_ =	sdelay $0x3  }
0x2a6: {  	v27 =	vld.idx.msk [tilespmem:v27+s6+$0x0], $0xffff  }
0x2a7: {  	v28 =	vld.idx.msk [tilespmem:v28+s6+$0x0], $0xffff;
	_ =	sdelay $0x1  }
0x2a8: {  	v30 =	vld [tilespmem:s25+$0x9060]  }
0x2a9: {  	v33 =	vld [tilespmem:s25+$0x90E0]  }
0x2aa: {  	v34 =	vld [tilespmem:s25+$0x9160]  }
0x2ab: {  	v28 =	vsub.f32 v27, v28;
	_ =	sdelay $0x1  }
0x2ac: {  	v27 =	vmul.f32 v30, v25;
	v60 =	vmul.f32 v28, v25  }
0x2ad: {  	v30 =	vmul.f32 v33, v25  }
0x2ae: {  	v28 =	vmul.f32 v34, v25;
	v61 =	vsub.f32 v27, v60  }
0x2af: {  	v62 =	vsub.f32 v30, v60  }
0x2b0: {  	v35 =	vsub.f32 v28, v60;
	v33 =	vadd.f32 $0.0e+00, v61  }
0x2b1: {  	v34 =	vadd.f32 $0.0e+00, v62  }
0x2b2: {  	v35 =	vadd.f32 $0.0e+00, v35;
	v33 =	vmul.f32 $1.442695020e+00, v33  }
0x2b3: {  	v34 =	vmul.f32 $1.442695020e+00, v34  }
0x2b4: {  	v35 =	vmul.f32 $1.442695020e+00, v35;
	(erf) = vpow2.f32 v33  }
0x2b5: {  	(erf) = vpow2.f32 v34  }
0x2b6: {  	(erf) = vpow2.f32 v35;
	_ =	sdelay $0x6  }
0x2b7: {  	v33 =	vpop (erf)  }
0x2b8: {  	v33 =	vadd.f32 $1.000000000e+00, v33;
	v34 =	vpop (erf)  }
0x2b9: {  	v34 =	vadd.f32 $1.000000000e+00, v34;
	v35 =	vpop (erf)  }
0x2ba: {  	v35 =	vadd.f32 $1.000000000e+00, v35;
	(erf) = vrcp.f32 v33  }
0x2bb: {  	v31 =	vmul.u32 $0xC00, v31;
	(erf) = vrcp.f32 v34  }
0x2bc: {  	(erf) = vrcp.f32 v35  }
0x2bd: {  	s31 =	simm.s32 $0x1;
	v31 =	vor.u32 v59, v31  }
0x2be: {  	v63 =	vmov s31;
	v38 =	vadd.s32 $0x800, v31  }
0x2bf: {  	v31 =	vshrl.u32 v63, $0x3;
	v33 =	vor.u32 v22, v38  }
0x2c0: {  	v32 =	vshll.u32 v63, $0x7;
	v36 =	vshll.u32 v31, $0xC;
	v34 =	vor.u32 v23, v38  }
0x2c1: {  	v32 =	vand.u32 $0x380, v32;
	s26 =	simm.s32 $0x2;
	v37 =	vadd.s32 v26, v36;
	v35 =	vor.u32 v24, v38  }
.LBB2_16:
0x2c2: {  	p0 =	sne.s32 s26, $0x3F;
	v37 =	vor.u32 v32, v37;
	v36 =	vadd.s32 v29, v36  }
0x2c3: {  	v36 =	vor.u32 v32, v36;
	v38 =	vpop (erf)  }
0x2c4: {  	[tilespmem:v33+s16+$0x0] =	vst.idx.msk $0xffff, v38;
	v33 =	vpop (erf)  }
0x2c5: {  	[tilespmem:v34+s16+$0x0] =	vst.idx.msk $0xffff, v33;
	v33 =	vpop (erf)  }
0x2c6: {  	[tilespmem:v35+s16+$0x0] =	vst.idx.msk $0xffff, v33  }
0x2c7: {  	v33 =	vld.idx.msk [tilespmem:v37+s6+$0x0], $0xffff  }
0x2c8: {  	v34 =	vld.idx.msk [tilespmem:v36+s6+$0x0], $0xffff;
	_ =	sdelay $0x5  }
0x2c9: {  	v33 =	vsub.f32 v33, v34;
	_ =	sdelay $0x1  }
0x2ca: {  	v33 =	vmul.f32 v33, v25;
	_ =	sdelay $0x1  }
0x2cb: {  	v34 =	vsub.f32 v27, v33  }
0x2cc: {  	v35 =	vsub.f32 v30, v33  }
0x2cd: {  	v33 =	vsub.f32 v28, v33;
	v34 =	vadd.f32 $0.0e+00, v34  }
0x2ce: {  	v35 =	vadd.f32 $0.0e+00, v35  }
0x2cf: {  	v33 =	vadd.f32 $0.0e+00, v33;
	v34 =	vmul.f32 $1.442695020e+00, v34  }
0x2d0: {  	v35 =	vmul.f32 $1.442695020e+00, v35  }
0x2d1: {  	v33 =	vmul.f32 $1.442695020e+00, v33;
	(erf) = vpow2.f32 v34  }
0x2d2: {  	(erf) = vpow2.f32 v35  }
0x2d3: {  	(erf) = vpow2.f32 v33;
	_ =	sdelay $0x6  }
0x2d4: {  	v33 =	vpop (erf)  }
0x2d5: {  	v33 =	vadd.f32 $1.000000000e+00, v33;
	v34 =	vpop (erf)  }
0x2d6: {  	v34 =	vadd.f32 $1.000000000e+00, v34;
	v35 =	vpop (erf)  }
0x2d7: {  	v35 =	vadd.f32 $1.000000000e+00, v35;
	(erf) = vrcp.f32 v33  }
0x2d8: {  	v31 =	vmul.u32 $0xC00, v31;
	(erf) = vrcp.f32 v34  }
0x2d9: {  	(erf) = vrcp.f32 v35  }
.Ltmp6:
0x2da: {  	v31 =	vor.u32 v32, v31;
	(pc) =	sbr.rel @p0 .LBB2_16-.Ltmp6, $4  }
0x2db: {  	v32 =	vmov s26;
	v35 =	vadd.s32 $0x800, v31  }
0x2dc: {  	v31 =	vshrl.u32 v32, $0x3;
	v33 =	vor.u32 v22, v35  }
0x2dd: {  	v32 =	vshll.u32 v32, $0x7;
	v36 =	vshll.u32 v31, $0xC;
	v34 =	vor.u32 v23, v35  }
0x2de: {  	s26 =	sadd.s32 $0x1, s26;
	v32 =	vand.u32 $0x380, v32;
	v35 =	vor.u32 v24, v35;
	v37 =	vadd.s32 v26, v36  }
0x2df: {  	_ =	sdelay $0x1  }
0x2e0: {  	v26 =	vor.u32 v32, v37;
	v29 =	vadd.s32 v29, v36  }
0x2e1: {  	v29 =	vor.u32 v32, v29;
	v56 =	vpop (erf)  }
0x2e2: {  	[tilespmem:v33+s16+$0x0] =	vst.idx.msk $0xffff, v56;
	v57 =	vpop (erf)  }
0x2e3: {  	[tilespmem:v34+s16+$0x0] =	vst.idx.msk $0xffff, v57;
	v58 =	vpop (erf)  }
0x2e4: {  	[tilespmem:v35+s16+$0x0] =	vst.idx.msk $0xffff, v58  }
0x2e5: {  	v26 =	vld.idx.msk [tilespmem:v26+s6+$0x0], $0xffff  }
0x2e6: {  	v29 =	vld.idx.msk [tilespmem:v29+s6+$0x0], $0xffff;
	_ =	sdelay $0x4  }
0x2e7: {  	v26 =	vsub.f32 v26, v29;
	_ =	sdelay $0x1  }
0x2e8: {  	v26 =	vmul.f32 v26, v25;
	_ =	sdelay $0x1  }
0x2e9: {  	v27 =	vsub.f32 v27, v26  }
0x2ea: {  	v29 =	vsub.f32 v30, v26  }
0x2eb: {  	v26 =	vsub.f32 v28, v26;
	v27 =	vadd.f32 $0.0e+00, v27  }
0x2ec: {  	v28 =	vadd.f32 $0.0e+00, v29  }
0x2ed: {  	v26 =	vadd.f32 $0.0e+00, v26;
	v27 =	vmul.f32 $1.442695020e+00, v27  }
0x2ee: {  	v28 =	vmul.f32 $1.442695020e+00, v28  }
0x2ef: {  	v26 =	vmul.f32 $1.442695020e+00, v26;
	(erf) = vpow2.f32 v27  }
0x2f0: {  	(erf) = vpow2.f32 v28  }
0x2f1: {  	(erf) = vpow2.f32 v26;
	_ =	sdelay $0x6  }
0x2f2: {  	v26 =	vpop (erf)  }
0x2f3: {  	v26 =	vadd.f32 $1.000000000e+00, v26;
	v27 =	vpop (erf)  }
0x2f4: {  	v27 =	vadd.f32 $1.000000000e+00, v27;
	v28 =	vpop (erf)  }
0x2f5: {  	v28 =	vadd.f32 $1.000000000e+00, v28;
	(erf) = vrcp.f32 v26  }
0x2f6: {  	v26 =	vmul.u32 $0xC00, v31;
	(erf) = vrcp.f32 v27  }
0x2f7: {  	(erf) = vrcp.f32 v28  }
0x2f8: {  	v26 =	vor.u32 v32, v26  }
0x2f9: {  	v26 =	vadd.s32 $0x800, v26  }
0x2fa: {  	v27 =	vor.u32 v22, v26  }
0x2fb: {  	v28 =	vor.u32 v23, v26  }
0x2fc: {  	v26 =	vor.u32 v24, v26;
	_ =	sdelay $0x1  }
0x2fd: {  	v29 =	vpop (erf)  }
0x2fe: {  	[tilespmem:v27+s16+$0x0] =	vst.idx.msk $0xffff, v29;
	v27 =	vpop (erf)  }
0x2ff: {  	[tilespmem:v28+s16+$0x0] =	vst.idx.msk $0xffff, v27;
	v27 =	vpop (erf)  }
0x300: {  	[tilespmem:v26+s16+$0x0] =	vst.idx.msk $0xffff, v27  }
0x301: {  	v26 =	vld [tilespmem:s24+$0x8070];
	_ =	sdelay $0x2  }
0x302: {  	v27 =	vld [tilespmem:s24+$0x8870];
	_ =	sdelay $0x1  }
0x303: {  	v28 =	vshll.u32 v26, $0x3  }
0x304: {  	s30 =	simm.s32 $0x0;
	v26 =	vand.u32 $0x7F, v26;
	v28 =	vand.u32 $0xFFFFFC00, v28  }
0x305: {  	v26 =	vor.u32 v26, v28;
	v28 =	vmov s30  }
0x306: {  	v29 =	vand.u32 $0x7F, v27;
	v27 =	vshll.u32 v27, $0x3;
	v31 =	vshrl.u32 v28, $0x3  }
0x307: {  	v27 =	vand.u32 $0xFFFFFC00, v27;
	v28 =	vshll.u32 v28, $0x7;
	v30 =	vshll.u32 v31, $0xC  }
0x308: {  	v29 =	vor.u32 v29, v27;
	v59 =	vand.u32 $0x380, v28;
	v27 =	vadd.s32 v26, v30  }
0x309: {  	v28 =	vadd.s32 v29, v30;
	v27 =	vor.u32 v59, v27  }
0x30a: {  	v28 =	vor.u32 v59, v28;
	_ =	sdelay $0x3  }
0x30b: {  	v27 =	vld.idx.msk [tilespmem:v27+s6+$0x0], $0xffff  }
0x30c: {  	v28 =	vld.idx.msk [tilespmem:v28+s6+$0x0], $0xffff;
	_ =	sdelay $0x1  }
0x30d: {  	v30 =	vld [tilespmem:s25+$0x9070]  }
0x30e: {  	v33 =	vld [tilespmem:s25+$0x90F0]  }
0x30f: {  	v34 =	vld [tilespmem:s25+$0x9170]  }
0x310: {  	v28 =	vsub.f32 v27, v28;
	_ =	sdelay $0x1  }
0x311: {  	v27 =	vmul.f32 v30, v25;
	v60 =	vmul.f32 v28, v25  }
0x312: {  	v30 =	vmul.f32 v33, v25  }
0x313: {  	v28 =	vmul.f32 v34, v25;
	v61 =	vsub.f32 v27, v60  }
0x314: {  	v62 =	vsub.f32 v30, v60  }
0x315: {  	v35 =	vsub.f32 v28, v60;
	v33 =	vadd.f32 $0.0e+00, v61  }
0x316: {  	v34 =	vadd.f32 $0.0e+00, v62  }
0x317: {  	v35 =	vadd.f32 $0.0e+00, v35;
	v33 =	vmul.f32 $1.442695020e+00, v33  }
0x318: {  	v34 =	vmul.f32 $1.442695020e+00, v34  }
0x319: {  	v35 =	vmul.f32 $1.442695020e+00, v35;
	(erf) = vpow2.f32 v33  }
0x31a: {  	(erf) = vpow2.f32 v34  }
0x31b: {  	(erf) = vpow2.f32 v35;
	_ =	sdelay $0x6  }
0x31c: {  	v33 =	vpop (erf)  }
0x31d: {  	v33 =	vadd.f32 $1.000000000e+00, v33;
	v34 =	vpop (erf)  }
0x31e: {  	v34 =	vadd.f32 $1.000000000e+00, v34;
	v35 =	vpop (erf)  }
0x31f: {  	v35 =	vadd.f32 $1.000000000e+00, v35;
	(erf) = vrcp.f32 v33  }
0x320: {  	v31 =	vmul.u32 $0xC00, v31;
	(erf) = vrcp.f32 v34  }
0x321: {  	s31 =	simm.s32 $0x1;
	(erf) = vrcp.f32 v35  }
0x322: {  	v63 =	vmov s31;
	v32 =	vor.u32 v59, v31  }
0x323: {  	v31 =	vadd.s32 $0x50, v0;
	v38 =	vadd.s32 $0x800, v32;
	v32 =	vadd.s32 $0x51, v0  }
0x324: {  	v36 =	vor.u32 v31, v38;
	v37 =	vor.u32 v32, v38;
	v34 =	vshrl.u32 v63, $0x3  }
0x325: {  	v33 =	vadd.s32 $0x52, v0;
	v39 =	vshll.u32 v34, $0xC;
	v35 =	vshll.u32 v63, $0x7  }
0x326: {  	s24 =	simm.s32 $0x2;
	v38 =	vor.u32 v33, v38;
	v35 =	vand.u32 $0x380, v35;
	v40 =	vadd.s32 v26, v39  }
.LBB2_18:
0x327: {  	p0 =	sne.s32 s24, $0x3F;
	v40 =	vor.u32 v35, v40;
	v39 =	vadd.s32 v29, v39  }
0x328: {  	v39 =	vor.u32 v35, v39;
	v41 =	vpop (erf)  }
0x329: {  	[tilespmem:v36+s16+$0x0] =	vst.idx.msk $0xffff, v41;
	v36 =	vpop (erf)  }
0x32a: {  	[tilespmem:v37+s16+$0x0] =	vst.idx.msk $0xffff, v36;
	v36 =	vpop (erf)  }
0x32b: {  	[tilespmem:v38+s16+$0x0] =	vst.idx.msk $0xffff, v36  }
0x32c: {  	v36 =	vld.idx.msk [tilespmem:v40+s6+$0x0], $0xffff  }
0x32d: {  	v37 =	vld.idx.msk [tilespmem:v39+s6+$0x0], $0xffff;
	_ =	sdelay $0x5  }
0x32e: {  	v36 =	vsub.f32 v36, v37;
	_ =	sdelay $0x1  }
0x32f: {  	v36 =	vmul.f32 v36, v25;
	_ =	sdelay $0x1  }
0x330: {  	v37 =	vsub.f32 v27, v36  }
0x331: {  	v38 =	vsub.f32 v30, v36  }
0x332: {  	v36 =	vsub.f32 v28, v36;
	v37 =	vadd.f32 $0.0e+00, v37  }
0x333: {  	v38 =	vadd.f32 $0.0e+00, v38  }
0x334: {  	v36 =	vadd.f32 $0.0e+00, v36;
	v37 =	vmul.f32 $1.442695020e+00, v37  }
0x335: {  	v38 =	vmul.f32 $1.442695020e+00, v38  }
0x336: {  	v36 =	vmul.f32 $1.442695020e+00, v36;
	(erf) = vpow2.f32 v37  }
0x337: {  	(erf) = vpow2.f32 v38  }
0x338: {  	(erf) = vpow2.f32 v36;
	_ =	sdelay $0x6  }
0x339: {  	v36 =	vpop (erf)  }
0x33a: {  	v36 =	vadd.f32 $1.000000000e+00, v36;
	v37 =	vpop (erf)  }
0x33b: {  	v37 =	vadd.f32 $1.000000000e+00, v37;
	v38 =	vpop (erf)  }
0x33c: {  	v38 =	vadd.f32 $1.000000000e+00, v38;
	(erf) = vrcp.f32 v36  }
0x33d: {  	v34 =	vmul.u32 $0xC00, v34;
	(erf) = vrcp.f32 v37  }
0x33e: {  	(erf) = vrcp.f32 v38  }
.Ltmp7:
0x33f: {  	v34 =	vor.u32 v35, v34;
	(pc) =	sbr.rel @p0 .LBB2_18-.Ltmp7, $4  }
0x340: {  	v35 =	vmov s24;
	v38 =	vadd.s32 $0x800, v34  }
0x341: {  	v34 =	vshrl.u32 v35, $0x3;
	v36 =	vor.u32 v31, v38  }
0x342: {  	v35 =	vshll.u32 v35, $0x7;
	v39 =	vshll.u32 v34, $0xC;
	v37 =	vor.u32 v32, v38  }
0x343: {  	s24 =	sadd.s32 $0x1, s24;
	v35 =	vand.u32 $0x380, v35;
	v38 =	vor.u32 v33, v38;
	v40 =	vadd.s32 v26, v39  }
0x344: {  	_ =	sdelay $0x1  }
0x345: {  	v26 =	vor.u32 v35, v40;
	v29 =	vadd.s32 v29, v39  }
0x346: {  	v29 =	vor.u32 v35, v29;
	v56 =	vpop (erf)  }
0x347: {  	[tilespmem:v36+s16+$0x0] =	vst.idx.msk $0xffff, v56;
	v57 =	vpop (erf)  }
0x348: {  	[tilespmem:v37+s16+$0x0] =	vst.idx.msk $0xffff, v57;
	v58 =	vpop (erf)  }
0x349: {  	[tilespmem:v38+s16+$0x0] =	vst.idx.msk $0xffff, v58  }
0x34a: {  	v26 =	vld.idx.msk [tilespmem:v26+s6+$0x0], $0xffff  }
0x34b: {  	v29 =	vld.idx.msk [tilespmem:v29+s6+$0x0], $0xffff;
	_ =	sdelay $0x4  }
0x34c: {  	v26 =	vsub.f32 v26, v29;
	_ =	sdelay $0x1  }
0x34d: {  	v26 =	vmul.f32 v26, v25;
	_ =	sdelay $0x1  }
0x34e: {  	v27 =	vsub.f32 v27, v26  }
0x34f: {  	v59 =	vsub.f32 v30, v26  }
0x350: {  	v26 =	vsub.f32 v28, v26;
	v27 =	vadd.f32 $0.0e+00, v27  }
0x351: {  	v60 =	vadd.f32 $0.0e+00, v59  }
0x352: {  	v26 =	vadd.f32 $0.0e+00, v26;
	v27 =	vmul.f32 $1.442695020e+00, v27  }
0x353: {  	v28 =	vmul.f32 $1.442695020e+00, v60  }
0x354: {  	v26 =	vmul.f32 $1.442695020e+00, v26;
	(erf) = vpow2.f32 v27  }
0x355: {  	(erf) = vpow2.f32 v28  }
0x356: {  	(erf) = vpow2.f32 v26;
	_ =	sdelay $0x6  }
0x357: {  	v26 =	vpop (erf)  }
0x358: {  	v26 =	vadd.f32 $1.000000000e+00, v26;
	v27 =	vpop (erf)  }
0x359: {  	v27 =	vadd.f32 $1.000000000e+00, v27;
	v61 =	vpop (erf)  }
0x35a: {  	v28 =	vadd.f32 $1.000000000e+00, v61;
	(erf) = vrcp.f32 v26  }
0x35b: {  	v26 =	vmul.u32 $0xC00, v34;
	(erf) = vrcp.f32 v27  }
0x35c: {  	(erf) = vrcp.f32 v28  }
0x35d: {  	v26 =	vor.u32 v35, v26  }
0x35e: {  	v26 =	vadd.s32 $0x800, v26  }
0x35f: {  	v27 =	vor.u32 v31, v26  }
0x360: {  	v62 =	vor.u32 v32, v26  }
0x361: {  	v26 =	vor.u32 v33, v26  }
0x362: {  	s24 =	smul.u32 $0xC00, s23  }
0x363: {  	v63 =	vpop (erf)  }
0x364: {  	s23 =	sadd.s32 $0x1, s23;
	s24 =	sadd.s32 s22, s24;
	[tilespmem:v27+s16+$0x0] =	vst.idx.msk $0xffff, v63;
	v27 =	vpop (erf)  }
0x365: {  	p0 =	sne.s32 s23, $0x10;
	s24 =	sshrl.u32 s24, $0x3;
	[tilespmem:v62+s16+$0x0] =	vst.idx.msk $0xffff, v27;
	v27 =	vpop (erf)  }
.Ltmp8:
0x366: {  	s24 =	sadd.s32 s5, s24;
	[tilespmem:v26+s16+$0x0] =	vst.idx.msk $0xffff, v27;
	(pc) =	sbr.rel @p0 .LBB2_3-.Ltmp8, $4  }
0x367: {  	[hbm4b:s24+s17] =	stream.strided.scatter [tilespmem:s16], [sflag:$0x1], $0x6000, s18, s17, $0x38;
	[tilespmem:$0x11080] =	vst v63  }
0x368: {  	_ =	swait.ge [sflag:s12], $0x6000  }
0x369: {  	[sflag:s12] =	ssyncset.done $0x0  }
0x36a: {  	[sflag:s12] =	ssyncadd.s32 $0xFFFFA000  }
0x36b: {  	s20 =	sadd.s32 $0x1, s20  }
0x36c: {  	p0 =	sne.s32 s20, $0x8  }
.Ltmp9:
0x36d: {  	_ = 	snop;
	(pc) =	sbr.rel @p0 .LBB2_2-.Ltmp9, $1  }
0x36e: {  	_ =	sdelay $0x3  }
0x36f: {  	s19 =	sadd.s32 $0x1, s19  }
0x370: {  	p0 =	sne.s32 s19, s10  }
.Ltmp10:
0x371: {  	_ = 	snop;
	(pc) =	sbr.rel @p0 .LBB2_1-.Ltmp10, $1  }
0x372: {  	_ =	sdelay $0x3  }
0x373: {  	_ =	sfence.sel $0x180000  }
0x374: {  	[bflag:$0x0] =	sbarrier.arrive $0xFFFF  }
0x375: {  	p0 =	sne.s32 s7, $0x0;
	_ =	strace $0x90000047  }
0x376: {  	s0 =	sadd.s32 @!p0 $0x100000, s4;
	[bflag:$0x2] =	sbarrier.arrive $0xFFFF  }
0x377: {  	[sflag:s0] =	ssyncadd.tile.s32 @!p0 $0x1;
	_ =	shalt  }
.Lfunc_end2:
_tile_overlayer_lowered:
.L_overlay_start_2:
0x378: {  	(tag) =	ssettag $0x2  }
0x379: {  	s0 =	rddreg [dreg:$0x0];
	s2 =	stileid.u32  }
0x37a: {  	s1 =	rddreg [dreg:$0x1];
	p0 =	sne.s32 s2, $0x0  }
0x37b: {  	s3 =	rddreg [dreg:$0x2];
	[bflag:$0x3] =	sbarrier.arrive $0xFFFF;
	s2 =	simm.s32 @!p0 $0x1C01  }
0x37c: {  	[timem:s3], [sflag:s2] =	dma.local @!p0 [hbm:s0], s1  }
0x37d: {  	s0 =	simm.s32 @!p0 $0x1  }
0x37e: {  	_ =	swait.ge @!p0 [sflag:s0], s1  }
0x37f: {  	s1 =	ssub.s32 @!p0 $0x0, s1;
	[sflag:s0] =	ssyncset.done @!p0 $0x0  }
0x380: {  	[sflag:s0] =	ssyncadd.s32 @!p0 s1  }
0x381: {  	[bflag:$0x3] =	sbarrier.arrive $0xFFFF  }
0x382: {  	_ =	shalt  }

</sc_bundles>
